<compile_context>
chip_gen: v7x
topology: tpu7x:2x2x1
jax: 0.10.2.dev20260603
libtpu: 0.0.44.dev20260713+nightly
codegen_flags: <defaults>
</compile_context>

<pallas_src>
import functools

import jax
import jax.numpy as jnp
from jax import lax
from jax.experimental import pallas as pl
from jax.experimental.pallas import tpu as pltpu
from jax.experimental.pallas import tpu_sc as plsc

N = 10000
NP = 10240
E = 320000
IN_DIM = 256
HID = 128
LAT = 64

NC = 2
NS = 16
CH = 128
CPW = 80
HALF = 40
EPAD = NC * NS * CPW * CH
STRIPE = NP // NS

_F32 = jnp.float32
_HI = lax.Precision.HIGHEST


def _mesh():
    return plsc.VectorSubcoreMesh(core_axis_name="c", subcore_axis_name="s")


def _sc_degree_body(dst_hbm, out_hbm, dst_v, ones_v, acc_sh, sem):
    core = lax.axis_index("c")
    sid = lax.axis_index("s")
    w = core * NS + sid

    @pl.loop(0, CH)
    def _fillz(i):
        @pl.loop(0, HID, step=16)
        def _fillz2(j):
            ones_v[i, pl.ds(j, 16)] = jnp.zeros((16,), _F32)

    @pl.loop(0, STRIPE, step=CH)
    def _zero(r):
        pltpu.sync_copy(ones_v, acc_sh.at[pl.ds(sid * STRIPE + r, CH)])

    @pl.loop(0, CH)
    def _fill1(i):
        @pl.loop(0, HID, step=16)
        def _fill12(j):
            ones_v[i, pl.ds(j, 16)] = jnp.ones((16,), _F32)

    plsc.subcore_barrier()
    pltpu.sync_copy(dst_hbm.at[w], dst_v)

    @pl.loop(0, CPW)
    def _scat(c):
        pltpu.sync_copy(ones_v, acc_sh.at[dst_v.at[c]], add=True)

    plsc.subcore_barrier()
    pltpu.sync_copy(
        acc_sh.at[pl.ds(sid * STRIPE, STRIPE)],
        out_hbm.at[core, pl.ds(sid * STRIPE, STRIPE)],
    )


def _sc_degree(dst3):
    kern = pl.kernel(
        _sc_degree_body,
        out_type=jax.ShapeDtypeStruct((NC, NP, HID), _F32),
        mesh=_mesh(),
        scratch_types=[
            pltpu.VMEM((CPW, CH), jnp.int32),
            pltpu.VMEM((CH, HID), _F32),
            pltpu.VMEM_SHARED((NP, HID), _F32),
            pltpu.SemaphoreType.DMA,
        ],
    )
    return kern(dst3)


def _sc_agg_body(h_hbm, src_hbm, dst_hbm, out_hbm, src_v, dst_v, rows_a, rows_b,
                 acc_sh, sem_a, sem_b):
    core = lax.axis_index("c")
    sid = lax.axis_index("s")
    w = core * NS + sid

    @pl.loop(0, CH)
    def _fill(i):
        @pl.loop(0, HID, step=16)
        def _fill2(j):
            rows_a[i, pl.ds(j, 16)] = jnp.zeros((16,), _F32)

    @pl.loop(0, STRIPE, step=CH)
    def _zero(r):
        pltpu.sync_copy(rows_a, acc_sh.at[pl.ds(sid * STRIPE + r, CH)])

    plsc.subcore_barrier()
    pltpu.sync_copy(dst_hbm.at[w], dst_v)

    for ph in range(CPW // HALF):
        base = ph * HALF
        pltpu.sync_copy(src_hbm.at[w, pl.ds(base, HALF)], src_v)
        pltpu.async_copy(h_hbm.at[src_v.at[0]], rows_a, sem_a)

        @pl.loop(0, HALF, step=2)
        def _edge(c, base=base):
            pltpu.make_async_copy(h_hbm.at[src_v.at[c]], rows_a, sem_a).wait()
            pltpu.async_copy(h_hbm.at[src_v.at[c + 1]], rows_b, sem_b)
            pltpu.sync_copy(rows_a, acc_sh.at[dst_v.at[base + c]], add=True)

            pltpu.make_async_copy(h_hbm.at[src_v.at[c + 1]], rows_b, sem_b).wait()

            @pl.when(c + 2 < HALF)
            def _next():
                pltpu.async_copy(h_hbm.at[src_v.at[c + 2]], rows_a, sem_a)

            pltpu.sync_copy(rows_b, acc_sh.at[dst_v.at[base + c + 1]], add=True)

    plsc.subcore_barrier()
    pltpu.sync_copy(
        acc_sh.at[pl.ds(sid * STRIPE, STRIPE)],
        out_hbm.at[core, pl.ds(sid * STRIPE, STRIPE)],
    )


def _sc_aggregate(hp, src3, dst3):
    kern = pl.kernel(
        _sc_agg_body,
        out_type=jax.ShapeDtypeStruct((NC, NP, HID), _F32),
        mesh=_mesh(),
        scratch_types=[
            pltpu.VMEM((HALF, CH), jnp.int32),
            pltpu.VMEM((CPW, CH), jnp.int32),
            pltpu.VMEM((CH, HID), _F32),
            pltpu.VMEM((CH, HID), _F32),
            pltpu.VMEM_SHARED((NP, HID), _F32),
            pltpu.SemaphoreType.DMA,
            pltpu.SemaphoreType.DMA,
        ],
    )
    return kern(hp, src3, dst3)


def _dinv_of(deg_ref):
    return lax.rsqrt(deg_ref[0, :, 0] + deg_ref[1, :, 0] + 1.0)[:, None]


def _tc_h1_body(x_ref, w_ref, deg_ref, o_ref):
    h = jnp.dot(x_ref[...], w_ref[...], precision=_HI, preferred_element_type=_F32)
    o_ref[...] = h * _dinv_of(deg_ref)


def _tc_h1(xp, w1, deg2):
    bm = 1024
    return pl.pallas_call(
        _tc_h1_body,
        grid=(NP // bm,),
        in_specs=[
            pl.BlockSpec((bm, IN_DIM), lambda i: (i, 0)),
            pl.BlockSpec((IN_DIM, HID), lambda i: (0, 0)),
            pl.BlockSpec((NC, bm, HID), lambda i: (0, i, 0)),
        ],
        out_specs=pl.BlockSpec((bm, HID), lambda i: (i, 0)),
        out_shape=jax.ShapeDtypeStruct((NP, HID), _F32),
    )(xp, w1, deg2)


def _tc_h2_body(acc_ref, h1_ref, deg_ref, b1_ref, wc_ref, o_ref):
    dinv = _dinv_of(deg_ref)
    hidden = jnp.maximum(dinv * (acc_ref[0] + acc_ref[1] + h1_ref[...]) + b1_ref[...], 0.0)
    o_ref[...] = jnp.dot(hidden, wc_ref[...], precision=_HI, preferred_element_type=_F32) * dinv


def _tc_h2(acc1, h1p, deg2, b1, wc):
    bm = 1024
    return pl.pallas_call(
        _tc_h2_body,
        grid=(NP // bm,),
        in_specs=[
            pl.BlockSpec((NC, bm, HID), lambda i: (0, i, 0)),
            pl.BlockSpec((bm, HID), lambda i: (i, 0)),
            pl.BlockSpec((NC, bm, HID), lambda i: (0, i, 0)),
            pl.BlockSpec((1, HID), lambda i: (0, 0)),
            pl.BlockSpec((HID, HID), lambda i: (0, 0)),
        ],
        out_specs=pl.BlockSpec((bm, HID), lambda i: (i, 0)),
        out_shape=jax.ShapeDtypeStruct((NP, HID), _F32),
    )(acc1, h1p, deg2, b1, wc)


def _tc_epi_body(acc_ref, h2_ref, deg_ref, bm_ref, bs_ref, noise_ref,
                 mean_ref, logstd_ref, z_ref):
    t = _dinv_of(deg_ref) * (acc_ref[0] + acc_ref[1] + h2_ref[...])
    mean = t[:, :LAT] + bm_ref[...]
    logstd = t[:, LAT:] + bs_ref[...]
    mean_ref[...] = mean
    logstd_ref[...] = logstd
    z_ref[...] = mean + noise_ref[...] * jnp.exp(logstd)


def _tc_epilogue(acc2, h2p, deg2, bmv, bsv, noise_p):
    bm = 1024
    spec_lat = pl.BlockSpec((bm, LAT), lambda i: (i, 0))
    out = jax.ShapeDtypeStruct((NP, LAT), _F32)
    return pl.pallas_call(
        _tc_epi_body,
        grid=(NP // bm,),
        in_specs=[
            pl.BlockSpec((NC, bm, HID), lambda i: (0, i, 0)),
            pl.BlockSpec((bm, HID), lambda i: (i, 0)),
            pl.BlockSpec((NC, bm, HID), lambda i: (0, i, 0)),
            pl.BlockSpec((1, LAT), lambda i: (0, 0)),
            pl.BlockSpec((1, LAT), lambda i: (0, 0)),
            spec_lat,
        ],
        out_specs=(spec_lat, spec_lat, spec_lat),
        out_shape=(out, out, out),
    )(acc2, h2p, deg2, bmv, bsv, noise_p)


def _tc_adj_body(a_ref, b_ref, o_ref):
    logits = lax.dot_general(
        a_ref[...], b_ref[...], (((1,), (1,)), ((), ())),
        precision=_HI, preferred_element_type=_F32,
    )
    o_ref[...] = jax.nn.sigmoid(logits)


def _tc_adj(z):
    bm = 1024
    return pl.pallas_call(
        _tc_adj_body,
        grid=(pl.cdiv(N, bm), pl.cdiv(N, bm)),
        in_specs=[
            pl.BlockSpec((bm, LAT), lambda i, j: (i, 0)),
            pl.BlockSpec((bm, LAT), lambda i, j: (j, 0)),
        ],
        out_specs=pl.BlockSpec((bm, bm), lambda i, j: (i, j)),
        out_shape=jax.ShapeDtypeStruct((N, N), _F32),
    )(z, z)


def kernel(X, edge_index, W1, b1, Wm, bm, Ws, bs):
    pad = (N + (jnp.arange(EPAD - E, dtype=jnp.int32) & 15)).astype(jnp.int32)
    src3 = jnp.concatenate([edge_index[0], pad]).reshape(NC * NS, CPW, CH)
    dst3 = jnp.concatenate([edge_index[1], pad]).reshape(NC * NS, CPW, CH)
    xp = jnp.pad(X, ((0, NP - N), (0, 0)))

    deg2 = _sc_degree(dst3)
    h1p = _tc_h1(xp, W1, deg2)
    acc1 = _sc_aggregate(h1p, src3, dst3)
    wc = jnp.concatenate([Wm, Ws], axis=1)
    h2p = _tc_h2(acc1, h1p, deg2, b1.reshape(1, HID), wc)
    acc2 = _sc_aggregate(h2p, src3, dst3)

    noise = jax.random.normal(jax.random.key(42), (N, LAT), dtype=_F32)
    noise_p = jnp.pad(noise, ((0, NP - N), (0, 0)))
    mean_p, logstd_p, z_p = _tc_epilogue(
        acc2, h2p, deg2, bm.reshape(1, LAT), bs.reshape(1, LAT), noise_p)
    mean, logstd, z = mean_p[:N], logstd_p[:N], z_p[:N]
    adj = _tc_adj(z)
    return (adj, mean, logstd, z)

# --- scband reference (transcript-rebuilt; emitter-appended) ---
"""Pipeline reference for scband-vgae-17978733101475 (READ-ONLY COPY).

The authoritative reference and input builder live on the scoring server;
editing this copy changes nothing except your own understanding.
"""

import jax, jax.numpy as jnp
import numpy as np

N = 10000
E = 320000
IN_DIM = 256
HID_DIM = 128
LAT_DIM = 64


def setup_inputs(seed: int = 0) -> dict:
    key = jax.random.key(seed)
    ks = jax.random.split(key, 8)
    X = jax.random.normal(ks[0], (N, IN_DIM), dtype=jnp.float32)
    edge_index = jax.random.randint(ks[1], (2, E), 0, N, dtype=jnp.int32)
    W1 = jax.random.normal(ks[2], (IN_DIM, HID_DIM), dtype=jnp.float32) * (1.0 / np.sqrt(IN_DIM))
    b1 = jnp.zeros((HID_DIM,), dtype=jnp.float32)
    Wm = jax.random.normal(ks[3], (HID_DIM, LAT_DIM), dtype=jnp.float32) * (1.0 / np.sqrt(HID_DIM))
    bm = jnp.zeros((LAT_DIM,), dtype=jnp.float32)
    Ws = jax.random.normal(ks[4], (HID_DIM, LAT_DIM), dtype=jnp.float32) * (1.0 / np.sqrt(HID_DIM))
    bs = jnp.zeros((LAT_DIM,), dtype=jnp.float32)
    return {"X": X, "edge_index": edge_index, "W1": W1, "b1": b1, "Wm": Wm, "bm": bm, "Ws": Ws, "bs": bs}


def _gcn_conv(x, edge_index, W, b, act):
    # GCN layer with self-loops and symmetric degree normalization,
    # allow_zero_in_degree handled by self-loops guaranteeing deg >= 1.
    n = x.shape[0]
    loop = jnp.arange(n, dtype=edge_index.dtype)
    src = jnp.concatenate([edge_index[0], loop])
    dst = jnp.concatenate([edge_index[1], loop])
    deg = jnp.zeros((n,), dtype=jnp.float32).at[dst].add(1.0)
    dinv = 1.0 / jnp.sqrt(deg)
    h = x @ W
    norm = (dinv[src] * dinv[dst])[:, None]
    msg = jnp.take(h, src, axis=0) * norm
    out = jnp.zeros((n, h.shape[1]), dtype=h.dtype).at[dst].add(msg)
    return act(out + b)


def reference(X, edge_index, W1, b1, Wm, bm, Ws, bs):
    hidden = _gcn_conv(X, edge_index, W1, b1, jax.nn.relu)
    mean = _gcn_conv(hidden, edge_index, Wm, bm, lambda t: t)
    logstd = _gcn_conv(hidden, edge_index, Ws, bs, lambda t: t)
    gaussian_noise = jax.random.normal(jax.random.key(42), (X.shape[0], LAT_DIM), dtype=jnp.float32)
    z = mean + gaussian_noise * jnp.exp(logstd)
    adj_reconstruct = jax.nn.sigmoid(z @ z.T)
    return (adj_reconstruct, mean, logstd, z)

if __name__ == "__main__":
    import jax
    _d = setup_inputs()
    print(jax.jit(kernel)(*tuple(_d.values())))

</pallas_src>

<mosaic_0001>
#map = affine_map<(d0, d1) -> (0, 0)>
#map1 = affine_map<(d0, d1) -> (0, 0, 0)>
module attributes {stable_mosaic.version = 14 : i64} {
  func.func @_sc_agg_body(%arg0: i32, %arg1: i32, %arg2: memref<10240x128xf32, #tpu.memory_space<hbm>>, %arg3: memref<32x80x128xi32, #tpu.memory_space<hbm>>, %arg4: memref<32x80x128xi32, #tpu.memory_space<hbm>>, %arg5: memref<2x10240x128xf32, #tpu.memory_space<hbm>>, %arg6: memref<40x128xi32, #tpu.memory_space<vmem>>, %arg7: memref<80x128xi32, #tpu.memory_space<vmem>>, %arg8: memref<128x128xf32, #tpu.memory_space<vmem>>, %arg9: memref<128x128xf32, #tpu.memory_space<vmem>>, %arg10: memref<10240x128xf32, #tpu.memory_space<vmem_shared>>, %arg11: memref<!tpu.dma_semaphore, #tpu.memory_space<semaphore_mem>>, %arg12: memref<!tpu.dma_semaphore, #tpu.memory_space<semaphore_mem>>) attributes {dimension_semantics = [#tpu.dimension_semantics<core_parallel>, #tpu.dimension_semantics<subcore_parallel>], iteration_bounds = array<i64: 2, 16>, scalar_prefetch = 0 : i64, scratch_operands = 7 : i64, tpu.core_type = #tpu.core_type<sc_vector_subcore>, window_params = [{transform_indices = #map}, {transform_indices = #map1}, {transform_indices = #map1}, {transform_indices = #map1}]} {
    %mul3A = arith.constant 16 : i32
    %mul3A_0 = arith.muli %arg0, %mul3A : i32
    %add3A = arith.addi %mul3A_0, %arg1 : i32
    %scan3A = arith.constant 0 : i32
    %scan3A_1 = arith.constant 128 : i32
    %scan3A_2 = arith.addi %scan3A, %scan3A_1 : i32
    %scan3A_3 = arith.constant 1 : i32
    scf.for %scan3A_38 = %scan3A to %scan3A_2 step %scan3A_3  : i32 {
      %mul3A_39 = arith.constant 1 : i32
      %mul3A_40 = arith.muli %scan3A_38, %mul3A_39 : i32
      %add3A_41 = arith.constant 0 : i32
      %add3A_42 = arith.addi %add3A_41, %mul3A_40 : i32
      %scan3A_43 = arith.constant 0 : i32
      %scan3A_44 = arith.constant 8 : i32
      %scan3A_45 = arith.addi %scan3A_43, %scan3A_44 : i32
      %scan3A_46 = arith.constant 1 : i32
      scf.for %scan3A_48 = %scan3A_43 to %scan3A_45 step %scan3A_46  : i32 {
        %mul3A_49 = arith.constant 16 : i32
        %mul3A_50 = arith.muli %scan3A_48, %mul3A_49 : i32
        %add3A_51 = arith.constant 0 : i32
        %add3A_52 = arith.addi %add3A_51, %mul3A_50 : i32
        %broadcast_in_dim3A = arith.constant 0.000000e+00 : f32
        %broadcast_in_dim3A_53 = vector.broadcast %broadcast_in_dim3A : f32 to vector<16xf32>
        %swap3A = arith.index_cast %add3A_42 : i32 to index
        %swap3A_54 = arith.index_cast %add3A_52 : i32 to index
        %swap3A_55 = tpu.vector_load %arg8[%swap3A, %swap3A_54] {strides = array<i32>} : memref<128x128xf32, #tpu.memory_space<vmem>>, vector<1x16xf32>,
        %swap3A_56 = vector.shape_cast %swap3A_55 : vector<1x16xf32> to vector<16xf32>
        %swap3A_57 = vector.shape_cast %broadcast_in_dim3A_53 : vector<16xf32> to vector<1x16xf32>
        tpu.vector_store %arg8[%swap3A, %swap3A_54], %swap3A_57 {strides = array<i32>} : memref<128x128xf32, #tpu.memory_space<vmem>>, vector<1x16xf32>,
      }
      %scan3A_47 = arith.constant 8 : i32
    }
    %scan3A_4 = arith.constant 128 : i32
    %scan3A_5 = arith.constant 0 : i32
    %scan3A_6 = arith.constant 5 : i32
    %scan3A_7 = arith.addi %scan3A_5, %scan3A_6 : i32
    %scan3A_8 = arith.constant 1 : i32
    scf.for %scan3A_38 = %scan3A_5 to %scan3A_7 step %scan3A_8  : i32 {
      %mul3A_39 = arith.constant 128 : i32
      %mul3A_40 = arith.muli %scan3A_38, %mul3A_39 : i32
      %add3A_41 = arith.constant 0 : i32
      %add3A_42 = arith.addi %add3A_41, %mul3A_40 : i32
      %mul3A_43 = arith.constant 640 : i32
      %mul3A_44 = arith.muli %arg1, %mul3A_43 : i32
      %add3A_45 = arith.addi %mul3A_44, %add3A_42 : i32
      "tpu.region"() ({
        %run_scoped3A = tpu.sem_alloc : memref<!tpu.dma_semaphore, #tpu.memory_space<semaphore_mem>>
        %dma_start3A_46 = arith.constant 0 : i32
        %dma_start3A_47 = tpu.memref_slice %arg10[%add3A_45, %dma_start3A_46] : memref<10240x128xf32, #tpu.memory_space<vmem_shared>> -> memref<128x128xf32, #tpu.memory_space<vmem_shared>>
        %dma_start3A_48 = arith.constant 0 : i32
        %dma_start3A_49 = tpu.memref_slice %arg10[%add3A_45, %dma_start3A_48] : memref<10240x128xf32, #tpu.memory_space<vmem_shared>> -> memref<128x128xf32, #tpu.memory_space<vmem_shared>>
        tpu.enqueue_dma source(%arg8 : memref<128x128xf32, #tpu.memory_space<vmem>>) target(%dma_start3A_49 : memref<128x128xf32, #tpu.memory_space<vmem_shared>>) target_semaphore(%run_scoped3A : memref<!tpu.dma_semaphore, #tpu.memory_space<semaphore_mem>>)
        %dma_wait3A = arith.constant 0 : i32
        %dma_wait3A_50 = tpu.memref_slice %arg10[%add3A_45, %dma_wait3A] : memref<10240x128xf32, #tpu.memory_space<vmem_shared>> -> memref<128x128xf32, #tpu.memory_space<vmem_shared>>
        %dma_wait3A_51 = arith.constant 0 : i32
        %dma_wait3A_52 = tpu.memref_slice %arg10[%add3A_45, %dma_wait3A_51] : memref<10240x128xf32, #tpu.memory_space<vmem_shared>> -> memref<128x128xf32, #tpu.memory_space<vmem_shared>>
        tpu.wait_dma2 semaphore(%run_scoped3A : memref<!tpu.dma_semaphore, #tpu.memory_space<semaphore_mem>>) src(%arg8 : memref<128x128xf32, #tpu.memory_space<vmem>>) dst(%dma_wait3A_52 : memref<128x128xf32, #tpu.memory_space<vmem_shared>>)
        tpu.yield
      }) : () -> ()
    }
    %scan3A_9 = arith.constant 5 : i32
    %barrier3A = arith.constant 0 : index
    tpu.barrier barrier_id(%barrier3A)
    "tpu.region"() ({
      %run_scoped3A = tpu.sem_alloc : memref<!tpu.dma_semaphore, #tpu.memory_space<semaphore_mem>>
      %dma_start3A_38 = arith.constant 0 : i32
      %dma_start3A_39 = arith.constant 0 : i32
      %dma_start3A_40 = tpu.memref_slice %arg4[%add3A, %dma_start3A_38, %dma_start3A_39] : memref<32x80x128xi32, #tpu.memory_space<hbm>> -> memref<1x80x128xi32, #tpu.memory_space<hbm>>
      %dma_start3A_41 = tpu.memref_squeeze %dma_start3A_40 : memref<1x80x128xi32, #tpu.memory_space<hbm>> -> memref<80x128xi32, #tpu.memory_space<hbm>>
      %dma_start3A_42 = arith.constant 0 : i32
      %dma_start3A_43 = arith.constant 0 : i32
      %dma_start3A_44 = tpu.memref_slice %arg4[%add3A, %dma_start3A_42, %dma_start3A_43] : memref<32x80x128xi32, #tpu.memory_space<hbm>> -> memref<1x80x128xi32, #tpu.memory_space<hbm>>
      %dma_start3A_45 = tpu.memref_squeeze %dma_start3A_44 : memref<1x80x128xi32, #tpu.memory_space<hbm>> -> memref<80x128xi32, #tpu.memory_space<hbm>>
      tpu.enqueue_dma source(%dma_start3A_45 : memref<80x128xi32, #tpu.memory_space<hbm>>) target(%arg7 : memref<80x128xi32, #tpu.memory_space<vmem>>) target_semaphore(%run_scoped3A : memref<!tpu.dma_semaphore, #tpu.memory_space<semaphore_mem>>)
      %dma_wait3A = arith.constant 0 : i32
      %dma_wait3A_46 = arith.constant 0 : i32
      %dma_wait3A_47 = tpu.memref_slice %arg4[%add3A, %dma_wait3A, %dma_wait3A_46] : memref<32x80x128xi32, #tpu.memory_space<hbm>> -> memref<1x80x128xi32, #tpu.memory_space<hbm>>
      %dma_wait3A_48 = tpu.memref_squeeze %dma_wait3A_47 : memref<1x80x128xi32, #tpu.memory_space<hbm>> -> memref<80x128xi32, #tpu.memory_space<hbm>>
      %dma_wait3A_49 = arith.constant 0 : i32
      %dma_wait3A_50 = arith.constant 0 : i32
      %dma_wait3A_51 = tpu.memref_slice %arg4[%add3A, %dma_wait3A_49, %dma_wait3A_50] : memref<32x80x128xi32, #tpu.memory_space<hbm>> -> memref<1x80x128xi32, #tpu.memory_space<hbm>>
      %dma_wait3A_52 = tpu.memref_squeeze %dma_wait3A_51 : memref<1x80x128xi32, #tpu.memory_space<hbm>> -> memref<80x128xi32, #tpu.memory_space<hbm>>
      tpu.wait_dma2 semaphore(%run_scoped3A : memref<!tpu.dma_semaphore, #tpu.memory_space<semaphore_mem>>) src(%dma_wait3A_52 : memref<80x128xi32, #tpu.memory_space<hbm>>) dst(%arg7 : memref<80x128xi32, #tpu.memory_space<vmem>>)
      tpu.yield
    }) : () -> ()
    "tpu.region"() ({
      %run_scoped3A = tpu.sem_alloc : memref<!tpu.dma_semaphore, #tpu.memory_space<semaphore_mem>>
      %dma_start3A_38 = arith.constant 0 : i32
      %dma_start3A_39 = arith.constant 0 : i32
      %dma_start3A_40 = tpu.memref_slice %arg3[%add3A, %dma_start3A_38, %dma_start3A_39] : memref<32x80x128xi32, #tpu.memory_space<hbm>> -> memref<1x40x128xi32, #tpu.memory_space<hbm>>
      %dma_start3A_41 = tpu.memref_squeeze %dma_start3A_40 : memref<1x40x128xi32, #tpu.memory_space<hbm>> -> memref<40x128xi32, #tpu.memory_space<hbm>>
      %dma_start3A_42 = arith.constant 0 : i32
      %dma_start3A_43 = arith.constant 0 : i32
      %dma_start3A_44 = tpu.memref_slice %arg3[%add3A, %dma_start3A_42, %dma_start3A_43] : memref<32x80x128xi32, #tpu.memory_space<hbm>> -> memref<1x40x128xi32, #tpu.memory_space<hbm>>
      %dma_start3A_45 = tpu.memref_squeeze %dma_start3A_44 : memref<1x40x128xi32, #tpu.memory_space<hbm>> -> memref<40x128xi32, #tpu.memory_space<hbm>>
      tpu.enqueue_dma source(%dma_start3A_45 : memref<40x128xi32, #tpu.memory_space<hbm>>) target(%arg6 : memref<40x128xi32, #tpu.memory_space<vmem>>) target_semaphore(%run_scoped3A : memref<!tpu.dma_semaphore, #tpu.memory_space<semaphore_mem>>)
      %dma_wait3A = arith.constant 0 : i32
      %dma_wait3A_46 = arith.constant 0 : i32
      %dma_wait3A_47 = tpu.memref_slice %arg3[%add3A, %dma_wait3A, %dma_wait3A_46] : memref<32x80x128xi32, #tpu.memory_space<hbm>> -> memref<1x40x128xi32, #tpu.memory_space<hbm>>
      %dma_wait3A_48 = tpu.memref_squeeze %dma_wait3A_47 : memref<1x40x128xi32, #tpu.memory_space<hbm>> -> memref<40x128xi32, #tpu.memory_space<hbm>>
      %dma_wait3A_49 = arith.constant 0 : i32
      %dma_wait3A_50 = arith.constant 0 : i32
      %dma_wait3A_51 = tpu.memref_slice %arg3[%add3A, %dma_wait3A_49, %dma_wait3A_50] : memref<32x80x128xi32, #tpu.memory_space<hbm>> -> memref<1x40x128xi32, #tpu.memory_space<hbm>>
      %dma_wait3A_52 = tpu.memref_squeeze %dma_wait3A_51 : memref<1x40x128xi32, #tpu.memory_space<hbm>> -> memref<40x128xi32, #tpu.memory_space<hbm>>
      tpu.wait_dma2 semaphore(%run_scoped3A : memref<!tpu.dma_semaphore, #tpu.memory_space<semaphore_mem>>) src(%dma_wait3A_52 : memref<40x128xi32, #tpu.memory_space<hbm>>) dst(%arg6 : memref<40x128xi32, #tpu.memory_space<vmem>>)
      tpu.yield
    }) : () -> ()
    %dma_start3A = arith.constant 0 : i32
    %dma_start3A_10 = arith.constant 0 : i32
    %dma_start3A_11 = tpu.memref_slice %arg6[%dma_start3A, %dma_start3A_10] : memref<40x128xi32, #tpu.memory_space<vmem>> -> memref<1x128xi32, #tpu.memory_space<vmem>>
    %dma_start3A_12 = tpu.memref_squeeze %dma_start3A_11 : memref<1x128xi32, #tpu.memory_space<vmem>> -> memref<128xi32, #tpu.memory_space<vmem>>
    %dma_start3A_13 = arith.constant 0 : i32
    %dma_start3A_14 = arith.constant 0 : i32
    %dma_start3A_15 = tpu.memref_slice %arg2[%dma_start3A_13, %dma_start3A_14] : memref<10240x128xf32, #tpu.memory_space<hbm>> -> memref<10240x128xf32, #tpu.memory_space<hbm>>
    tpu.enqueue_indirect_dma source(%dma_start3A_15 : memref<10240x128xf32, #tpu.memory_space<hbm>>) target(%arg8 : memref<128x128xf32, #tpu.memory_space<vmem>>) offsets(%dma_start3A_12 : memref<128xi32, #tpu.memory_space<vmem>>) semaphore(%arg11 : memref<!tpu.dma_semaphore, #tpu.memory_space<semaphore_mem>>)
    %scan3A_16 = arith.constant 0 : i32
    %scan3A_17 = arith.constant 20 : i32
    %scan3A_18 = arith.addi %scan3A_16, %scan3A_17 : i32
    %scan3A_19 = arith.constant 1 : i32
    scf.for %scan3A_38 = %scan3A_16 to %scan3A_18 step %scan3A_19  : i32 {
      %mul3A_39 = arith.constant 2 : i32
      %mul3A_40 = arith.muli %scan3A_38, %mul3A_39 : i32
      %add3A_41 = arith.constant 0 : i32
      %add3A_42 = arith.addi %add3A_41, %mul3A_40 : i32
      %dma_wait3A = arith.constant 0 : i32
      %dma_wait3A_43 = tpu.memref_slice %arg6[%add3A_42, %dma_wait3A] : memref<40x128xi32, #tpu.memory_space<vmem>> -> memref<1x128xi32, #tpu.memory_space<vmem>>
      %dma_wait3A_44 = tpu.memref_squeeze %dma_wait3A_43 : memref<1x128xi32, #tpu.memory_space<vmem>> -> memref<128xi32, #tpu.memory_space<vmem>>
      %dma_wait3A_45 = arith.constant 0 : i32
      %dma_wait3A_46 = arith.constant 0 : i32
      %dma_wait3A_47 = tpu.memref_slice %arg2[%dma_wait3A_45, %dma_wait3A_46] : memref<10240x128xf32, #tpu.memory_space<hbm>> -> memref<10240x128xf32, #tpu.memory_space<hbm>>
      tpu.wait_indirect_dma semaphore(%arg11 : memref<!tpu.dma_semaphore, #tpu.memory_space<semaphore_mem>>) src(%dma_wait3A_47 : memref<10240x128xf32, #tpu.memory_space<hbm>>) dst(%arg8 : memref<128x128xf32, #tpu.memory_space<vmem>>)
      %add3A_48 = arith.constant 1 : i32
      %add3A_49 = arith.addi %add3A_42, %add3A_48 : i32
      %dma_start3A_50 = arith.constant 0 : i32
      %dma_start3A_51 = tpu.memref_slice %arg6[%add3A_49, %dma_start3A_50] : memref<40x128xi32, #tpu.memory_space<vmem>> -> memref<1x128xi32, #tpu.memory_space<vmem>>
      %dma_start3A_52 = tpu.memref_squeeze %dma_start3A_51 : memref<1x128xi32, #tpu.memory_space<vmem>> -> memref<128xi32, #tpu.memory_space<vmem>>
      %dma_start3A_53 = arith.constant 0 : i32
      %dma_start3A_54 = arith.constant 0 : i32
      %dma_start3A_55 = tpu.memref_slice %arg2[%dma_start3A_53, %dma_start3A_54] : memref<10240x128xf32, #tpu.memory_space<hbm>> -> memref<10240x128xf32, #tpu.memory_space<hbm>>
      tpu.enqueue_indirect_dma source(%dma_start3A_55 : memref<10240x128xf32, #tpu.memory_space<hbm>>) target(%arg9 : memref<128x128xf32, #tpu.memory_space<vmem>>) offsets(%dma_start3A_52 : memref<128xi32, #tpu.memory_space<vmem>>) semaphore(%arg12 : memref<!tpu.dma_semaphore, #tpu.memory_space<semaphore_mem>>)
      %add3A_56 = arith.constant 0 : i32
      %add3A_57 = arith.addi %add3A_56, %add3A_42 : i32
      "tpu.region"() ({
        %run_scoped3A = tpu.sem_alloc : memref<!tpu.dma_semaphore, #tpu.memory_space<semaphore_mem>>
        %dma_start3A_74 = arith.constant 0 : i32
        %dma_start3A_75 = tpu.memref_slice %arg7[%add3A_57, %dma_start3A_74] : memref<80x128xi32, #tpu.memory_space<vmem>> -> memref<1x128xi32, #tpu.memory_space<vmem>>
        %dma_start3A_76 = tpu.memref_squeeze %dma_start3A_75 : memref<1x128xi32, #tpu.memory_space<vmem>> -> memref<128xi32, #tpu.memory_space<vmem>>
        %dma_start3A_77 = arith.constant 0 : i32
        %dma_start3A_78 = arith.constant 0 : i32
        %dma_start3A_79 = tpu.memref_slice %arg10[%dma_start3A_77, %dma_start3A_78] : memref<10240x128xf32, #tpu.memory_space<vmem_shared>> -> memref<10240x128xf32, #tpu.memory_space<vmem_shared>>
        tpu.enqueue_indirect_dma source(%arg8 : memref<128x128xf32, #tpu.memory_space<vmem>>) target(%dma_start3A_79 : memref<10240x128xf32, #tpu.memory_space<vmem_shared>>) offsets(%dma_start3A_76 : memref<128xi32, #tpu.memory_space<vmem>>) semaphore(%run_scoped3A : memref<!tpu.dma_semaphore, #tpu.memory_space<semaphore_mem>>) {add = true}
        %dma_wait3A_80 = arith.constant 0 : i32
        %dma_wait3A_81 = tpu.memref_slice %arg7[%add3A_57, %dma_wait3A_80] : memref<80x128xi32, #tpu.memory_space<vmem>> -> memref<1x128xi32, #tpu.memory_space<vmem>>
        %dma_wait3A_82 = tpu.memref_squeeze %dma_wait3A_81 : memref<1x128xi32, #tpu.memory_space<vmem>> -> memref<128xi32, #tpu.memory_space<vmem>>
        %dma_wait3A_83 = arith.constant 0 : i32
        %dma_wait3A_84 = arith.constant 0 : i32
        %dma_wait3A_85 = tpu.memref_slice %arg10[%dma_wait3A_83, %dma_wait3A_84] : memref<10240x128xf32, #tpu.memory_space<vmem_shared>> -> memref<10240x128xf32, #tpu.memory_space<vmem_shared>>
        tpu.wait_indirect_dma semaphore(%run_scoped3A : memref<!tpu.dma_semaphore, #tpu.memory_space<semaphore_mem>>) src(%arg8 : memref<128x128xf32, #tpu.memory_space<vmem>>) dst(%dma_wait3A_85 : memref<10240x128xf32, #tpu.memory_space<vmem_shared>>)
        tpu.yield
      }) : () -> ()
      %add3A_58 = arith.constant 1 : i32
      %add3A_59 = arith.addi %add3A_42, %add3A_58 : i32
      %dma_wait3A_60 = arith.constant 0 : i32
      %dma_wait3A_61 = tpu.memref_slice %arg6[%add3A_59, %dma_wait3A_60] : memref<40x128xi32, #tpu.memory_space<vmem>> -> memref<1x128xi32, #tpu.memory_space<vmem>>
      %dma_wait3A_62 = tpu.memref_squeeze %dma_wait3A_61 : memref<1x128xi32, #tpu.memory_space<vmem>> -> memref<128xi32, #tpu.memory_space<vmem>>
      %dma_wait3A_63 = arith.constant 0 : i32
      %dma_wait3A_64 = arith.constant 0 : i32
      %dma_wait3A_65 = tpu.memref_slice %arg2[%dma_wait3A_63, %dma_wait3A_64] : memref<10240x128xf32, #tpu.memory_space<hbm>> -> memref<10240x128xf32, #tpu.memory_space<hbm>>
      tpu.wait_indirect_dma semaphore(%arg12 : memref<!tpu.dma_semaphore, #tpu.memory_space<semaphore_mem>>) src(%dma_wait3A_65 : memref<10240x128xf32, #tpu.memory_space<hbm>>) dst(%arg9 : memref<128x128xf32, #tpu.memory_space<vmem>>)
      %add3A_66 = arith.constant 2 : i32
      %add3A_67 = arith.addi %add3A_42, %add3A_66 : i32
      %lt3A = arith.constant 40 : i32
      %lt3A_68 = arith.cmpi slt, %add3A_67, %lt3A : i32
      %convert_element_type3A = arith.extui %lt3A_68 : i1 to i32
      %cond3A = arith.constant 0 : i32
      %cond3A_69 = arith.cmpi ne, %convert_element_type3A, %cond3A : i32
      scf.if %cond3A_69 {
        %add3A_74 = arith.constant 2 : i32
        %add3A_75 = arith.addi %add3A_42, %add3A_74 : i32
        %dma_start3A_76 = arith.constant 0 : i32
        %dma_start3A_77 = tpu.memref_slice %arg6[%add3A_75, %dma_start3A_76] : memref<40x128xi32, #tpu.memory_space<vmem>> -> memref<1x128xi32, #tpu.memory_space<vmem>>
        %dma_start3A_78 = tpu.memref_squeeze %dma_start3A_77 : memref<1x128xi32, #tpu.memory_space<vmem>> -> memref<128xi32, #tpu.memory_space<vmem>>
        %dma_start3A_79 = arith.constant 0 : i32
        %dma_start3A_80 = arith.constant 0 : i32
        %dma_start3A_81 = tpu.memref_slice %arg2[%dma_start3A_79, %dma_start3A_80] : memref<10240x128xf32, #tpu.memory_space<hbm>> -> memref<10240x128xf32, #tpu.memory_space<hbm>>
        tpu.enqueue_indirect_dma source(%dma_start3A_81 : memref<10240x128xf32, #tpu.memory_space<hbm>>) target(%arg8 : memref<128x128xf32, #tpu.memory_space<vmem>>) offsets(%dma_start3A_78 : memref<128xi32, #tpu.memory_space<vmem>>) semaphore(%arg11 : memref<!tpu.dma_semaphore, #tpu.memory_space<semaphore_mem>>)
      } else {
      }
      %add3A_70 = arith.constant 0 : i32
      %add3A_71 = arith.addi %add3A_70, %add3A_42 : i32
      %add3A_72 = arith.constant 1 : i32
      %add3A_73 = arith.addi %add3A_71, %add3A_72 : i32
      "tpu.region"() ({
        %run_scoped3A = tpu.sem_alloc : memref<!tpu.dma_semaphore, #tpu.memory_space<semaphore_mem>>
        %dma_start3A_74 = arith.constant 0 : i32
        %dma_start3A_75 = tpu.memref_slice %arg7[%add3A_73, %dma_start3A_74] : memref<80x128xi32, #tpu.memory_space<vmem>> -> memref<1x128xi32, #tpu.memory_space<vmem>>
        %dma_start3A_76 = tpu.memref_squeeze %dma_start3A_75 : memref<1x128xi32, #tpu.memory_space<vmem>> -> memref<128xi32, #tpu.memory_space<vmem>>
        %dma_start3A_77 = arith.constant 0 : i32
        %dma_start3A_78 = arith.constant 0 : i32
        %dma_start3A_79 = tpu.memref_slice %arg10[%dma_start3A_77, %dma_start3A_78] : memref<10240x128xf32, #tpu.memory_space<vmem_shared>> -> memref<10240x128xf32, #tpu.memory_space<vmem_shared>>
        tpu.enqueue_indirect_dma source(%arg9 : memref<128x128xf32, #tpu.memory_space<vmem>>) target(%dma_start3A_79 : memref<10240x128xf32, #tpu.memory_space<vmem_shared>>) offsets(%dma_start3A_76 : memref<128xi32, #tpu.memory_space<vmem>>) semaphore(%run_scoped3A : memref<!tpu.dma_semaphore, #tpu.memory_space<semaphore_mem>>) {add = true}
        %dma_wait3A_80 = arith.constant 0 : i32
        %dma_wait3A_81 = tpu.memref_slice %arg7[%add3A_73, %dma_wait3A_80] : memref<80x128xi32, #tpu.memory_space<vmem>> -> memref<1x128xi32, #tpu.memory_space<vmem>>
        %dma_wait3A_82 = tpu.memref_squeeze %dma_wait3A_81 : memref<1x128xi32, #tpu.memory_space<vmem>> -> memref<128xi32, #tpu.memory_space<vmem>>
        %dma_wait3A_83 = arith.constant 0 : i32
        %dma_wait3A_84 = arith.constant 0 : i32
        %dma_wait3A_85 = tpu.memref_slice %arg10[%dma_wait3A_83, %dma_wait3A_84] : memref<10240x128xf32, #tpu.memory_space<vmem_shared>> -> memref<10240x128xf32, #tpu.memory_space<vmem_shared>>
        tpu.wait_indirect_dma semaphore(%run_scoped3A : memref<!tpu.dma_semaphore, #tpu.memory_space<semaphore_mem>>) src(%arg9 : memref<128x128xf32, #tpu.memory_space<vmem>>) dst(%dma_wait3A_85 : memref<10240x128xf32, #tpu.memory_space<vmem_shared>>)
        tpu.yield
      }) : () -> ()
    }
    %scan3A_20 = arith.constant 20 : i32
    "tpu.region"() ({
      %run_scoped3A = tpu.sem_alloc : memref<!tpu.dma_semaphore, #tpu.memory_space<semaphore_mem>>
      %dma_start3A_38 = arith.constant 40 : i32
      %dma_start3A_39 = arith.constant 0 : i32
      %dma_start3A_40 = tpu.memref_slice %arg3[%add3A, %dma_start3A_38, %dma_start3A_39] : memref<32x80x128xi32, #tpu.memory_space<hbm>> -> memref<1x40x128xi32, #tpu.memory_space<hbm>>
      %dma_start3A_41 = tpu.memref_squeeze %dma_start3A_40 : memref<1x40x128xi32, #tpu.memory_space<hbm>> -> memref<40x128xi32, #tpu.memory_space<hbm>>
      %dma_start3A_42 = arith.constant 40 : i32
      %dma_start3A_43 = arith.constant 0 : i32
      %dma_start3A_44 = tpu.memref_slice %arg3[%add3A, %dma_start3A_42, %dma_start3A_43] : memref<32x80x128xi32, #tpu.memory_space<hbm>> -> memref<1x40x128xi32, #tpu.memory_space<hbm>>
      %dma_start3A_45 = tpu.memref_squeeze %dma_start3A_44 : memref<1x40x128xi32, #tpu.memory_space<hbm>> -> memref<40x128xi32, #tpu.memory_space<hbm>>
      tpu.enqueue_dma source(%dma_start3A_45 : memref<40x128xi32, #tpu.memory_space<hbm>>) target(%arg6 : memref<40x128xi32, #tpu.memory_space<vmem>>) target_semaphore(%run_scoped3A : memref<!tpu.dma_semaphore, #tpu.memory_space<semaphore_mem>>)
      %dma_wait3A = arith.constant 40 : i32
      %dma_wait3A_46 = arith.constant 0 : i32
      %dma_wait3A_47 = tpu.memref_slice %arg3[%add3A, %dma_wait3A, %dma_wait3A_46] : memref<32x80x128xi32, #tpu.memory_space<hbm>> -> memref<1x40x128xi32, #tpu.memory_space<hbm>>
      %dma_wait3A_48 = tpu.memref_squeeze %dma_wait3A_47 : memref<1x40x128xi32, #tpu.memory_space<hbm>> -> memref<40x128xi32, #tpu.memory_space<hbm>>
      %dma_wait3A_49 = arith.constant 40 : i32
      %dma_wait3A_50 = arith.constant 0 : i32
      %dma_wait3A_51 = tpu.memref_slice %arg3[%add3A, %dma_wait3A_49, %dma_wait3A_50] : memref<32x80x128xi32, #tpu.memory_space<hbm>> -> memref<1x40x128xi32, #tpu.memory_space<hbm>>
      %dma_wait3A_52 = tpu.memref_squeeze %dma_wait3A_51 : memref<1x40x128xi32, #tpu.memory_space<hbm>> -> memref<40x128xi32, #tpu.memory_space<hbm>>
      tpu.wait_dma2 semaphore(%run_scoped3A : memref<!tpu.dma_semaphore, #tpu.memory_space<semaphore_mem>>) src(%dma_wait3A_52 : memref<40x128xi32, #tpu.memory_space<hbm>>) dst(%arg6 : memref<40x128xi32, #tpu.memory_space<vmem>>)
      tpu.yield
    }) : () -> ()
    %dma_start3A_21 = arith.constant 0 : i32
    %dma_start3A_22 = arith.constant 0 : i32
    %dma_start3A_23 = tpu.memref_slice %arg6[%dma_start3A_21, %dma_start3A_22] : memref<40x128xi32, #tpu.memory_space<vmem>> -> memref<1x128xi32, #tpu.memory_space<vmem>>
    %dma_start3A_24 = tpu.memref_squeeze %dma_start3A_23 : memref<1x128xi32, #tpu.memory_space<vmem>> -> memref<128xi32, #tpu.memory_space<vmem>>
    %dma_start3A_25 = arith.constant 0 : i32
    %dma_start3A_26 = arith.constant 0 : i32
    %dma_start3A_27 = tpu.memref_slice %arg2[%dma_start3A_25, %dma_start3A_26] : memref<10240x128xf32, #tpu.memory_space<hbm>> -> memref<10240x128xf32, #tpu.memory_space<hbm>>
    tpu.enqueue_indirect_dma source(%dma_start3A_27 : memref<10240x128xf32, #tpu.memory_space<hbm>>) target(%arg8 : memref<128x128xf32, #tpu.memory_space<vmem>>) offsets(%dma_start3A_24 : memref<128xi32, #tpu.memory_space<vmem>>) semaphore(%arg11 : memref<!tpu.dma_semaphore, #tpu.memory_space<semaphore_mem>>)
    %scan3A_28 = arith.constant 0 : i32
    %scan3A_29 = arith.constant 20 : i32
    %scan3A_30 = arith.addi %scan3A_28, %scan3A_29 : i32
    %scan3A_31 = arith.constant 1 : i32
    scf.for %scan3A_38 = %scan3A_28 to %scan3A_30 step %scan3A_31  : i32 {
      %mul3A_39 = arith.constant 2 : i32
      %mul3A_40 = arith.muli %scan3A_38, %mul3A_39 : i32
      %add3A_41 = arith.constant 0 : i32
      %add3A_42 = arith.addi %add3A_41, %mul3A_40 : i32
      %dma_wait3A = arith.constant 0 : i32
      %dma_wait3A_43 = tpu.memref_slice %arg6[%add3A_42, %dma_wait3A] : memref<40x128xi32, #tpu.memory_space<vmem>> -> memref<1x128xi32, #tpu.memory_space<vmem>>
      %dma_wait3A_44 = tpu.memref_squeeze %dma_wait3A_43 : memref<1x128xi32, #tpu.memory_space<vmem>> -> memref<128xi32, #tpu.memory_space<vmem>>
      %dma_wait3A_45 = arith.constant 0 : i32
      %dma_wait3A_46 = arith.constant 0 : i32
      %dma_wait3A_47 = tpu.memref_slice %arg2[%dma_wait3A_45, %dma_wait3A_46] : memref<10240x128xf32, #tpu.memory_space<hbm>> -> memref<10240x128xf32, #tpu.memory_space<hbm>>
      tpu.wait_indirect_dma semaphore(%arg11 : memref<!tpu.dma_semaphore, #tpu.memory_space<semaphore_mem>>) src(%dma_wait3A_47 : memref<10240x128xf32, #tpu.memory_space<hbm>>) dst(%arg8 : memref<128x128xf32, #tpu.memory_space<vmem>>)
      %add3A_48 = arith.constant 1 : i32
      %add3A_49 = arith.addi %add3A_42, %add3A_48 : i32
      %dma_start3A_50 = arith.constant 0 : i32
      %dma_start3A_51 = tpu.memref_slice %arg6[%add3A_49, %dma_start3A_50] : memref<40x128xi32, #tpu.memory_space<vmem>> -> memref<1x128xi32, #tpu.memory_space<vmem>>
      %dma_start3A_52 = tpu.memref_squeeze %dma_start3A_51 : memref<1x128xi32, #tpu.memory_space<vmem>> -> memref<128xi32, #tpu.memory_space<vmem>>
      %dma_start3A_53 = arith.constant 0 : i32
      %dma_start3A_54 = arith.constant 0 : i32
      %dma_start3A_55 = tpu.memref_slice %arg2[%dma_start3A_53, %dma_start3A_54] : memref<10240x128xf32, #tpu.memory_space<hbm>> -> memref<10240x128xf32, #tpu.memory_space<hbm>>
      tpu.enqueue_indirect_dma source(%dma_start3A_55 : memref<10240x128xf32, #tpu.memory_space<hbm>>) target(%arg9 : memref<128x128xf32, #tpu.memory_space<vmem>>) offsets(%dma_start3A_52 : memref<128xi32, #tpu.memory_space<vmem>>) semaphore(%arg12 : memref<!tpu.dma_semaphore, #tpu.memory_space<semaphore_mem>>)
      %add3A_56 = arith.constant 40 : i32
      %add3A_57 = arith.addi %add3A_56, %add3A_42 : i32
      "tpu.region"() ({
        %run_scoped3A = tpu.sem_alloc : memref<!tpu.dma_semaphore, #tpu.memory_space<semaphore_mem>>
        %dma_start3A_74 = arith.constant 0 : i32
        %dma_start3A_75 = tpu.memref_slice %arg7[%add3A_57, %dma_start3A_74] : memref<80x128xi32, #tpu.memory_space<vmem>> -> memref<1x128xi32, #tpu.memory_space<vmem>>
        %dma_start3A_76 = tpu.memref_squeeze %dma_start3A_75 : memref<1x128xi32, #tpu.memory_space<vmem>> -> memref<128xi32, #tpu.memory_space<vmem>>
        %dma_start3A_77 = arith.constant 0 : i32
        %dma_start3A_78 = arith.constant 0 : i32
        %dma_start3A_79 = tpu.memref_slice %arg10[%dma_start3A_77, %dma_start3A_78] : memref<10240x128xf32, #tpu.memory_space<vmem_shared>> -> memref<10240x128xf32, #tpu.memory_space<vmem_shared>>
        tpu.enqueue_indirect_dma source(%arg8 : memref<128x128xf32, #tpu.memory_space<vmem>>) target(%dma_start3A_79 : memref<10240x128xf32, #tpu.memory_space<vmem_shared>>) offsets(%dma_start3A_76 : memref<128xi32, #tpu.memory_space<vmem>>) semaphore(%run_scoped3A : memref<!tpu.dma_semaphore, #tpu.memory_space<semaphore_mem>>) {add = true}
        %dma_wait3A_80 = arith.constant 0 : i32
        %dma_wait3A_81 = tpu.memref_slice %arg7[%add3A_57, %dma_wait3A_80] : memref<80x128xi32, #tpu.memory_space<vmem>> -> memref<1x128xi32, #tpu.memory_space<vmem>>
        %dma_wait3A_82 = tpu.memref_squeeze %dma_wait3A_81 : memref<1x128xi32, #tpu.memory_space<vmem>> -> memref<128xi32, #tpu.memory_space<vmem>>
        %dma_wait3A_83 = arith.constant 0 : i32
        %dma_wait3A_84 = arith.constant 0 : i32
        %dma_wait3A_85 = tpu.memref_slice %arg10[%dma_wait3A_83, %dma_wait3A_84] : memref<10240x128xf32, #tpu.memory_space<vmem_shared>> -> memref<10240x128xf32, #tpu.memory_space<vmem_shared>>
        tpu.wait_indirect_dma semaphore(%run_scoped3A : memref<!tpu.dma_semaphore, #tpu.memory_space<semaphore_mem>>) src(%arg8 : memref<128x128xf32, #tpu.memory_space<vmem>>) dst(%dma_wait3A_85 : memref<10240x128xf32, #tpu.memory_space<vmem_shared>>)
        tpu.yield
      }) : () -> ()
      %add3A_58 = arith.constant 1 : i32
      %add3A_59 = arith.addi %add3A_42, %add3A_58 : i32
      %dma_wait3A_60 = arith.constant 0 : i32
      %dma_wait3A_61 = tpu.memref_slice %arg6[%add3A_59, %dma_wait3A_60] : memref<40x128xi32, #tpu.memory_space<vmem>> -> memref<1x128xi32, #tpu.memory_space<vmem>>
      %dma_wait3A_62 = tpu.memref_squeeze %dma_wait3A_61 : memref<1x128xi32, #tpu.memory_space<vmem>> -> memref<128xi32, #tpu.memory_space<vmem>>
      %dma_wait3A_63 = arith.constant 0 : i32
      %dma_wait3A_64 = arith.constant 0 : i32
      %dma_wait3A_65 = tpu.memref_slice %arg2[%dma_wait3A_63, %dma_wait3A_64] : memref<10240x128xf32, #tpu.memory_space<hbm>> -> memref<10240x128xf32, #tpu.memory_space<hbm>>
      tpu.wait_indirect_dma semaphore(%arg12 : memref<!tpu.dma_semaphore, #tpu.memory_space<semaphore_mem>>) src(%dma_wait3A_65 : memref<10240x128xf32, #tpu.memory_space<hbm>>) dst(%arg9 : memref<128x128xf32, #tpu.memory_space<vmem>>)
      %add3A_66 = arith.constant 2 : i32
      %add3A_67 = arith.addi %add3A_42, %add3A_66 : i32
      %lt3A = arith.constant 40 : i32
      %lt3A_68 = arith.cmpi slt, %add3A_67, %lt3A : i32
      %convert_element_type3A = arith.extui %lt3A_68 : i1 to i32
      %cond3A = arith.constant 0 : i32
      %cond3A_69 = arith.cmpi ne, %convert_element_type3A, %cond3A : i32
      scf.if %cond3A_69 {
        %add3A_74 = arith.constant 2 : i32
        %add3A_75 = arith.addi %add3A_42, %add3A_74 : i32
        %dma_start3A_76 = arith.constant 0 : i32
        %dma_start3A_77 = tpu.memref_slice %arg6[%add3A_75, %dma_start3A_76] : memref<40x128xi32, #tpu.memory_space<vmem>> -> memref<1x128xi32, #tpu.memory_space<vmem>>
        %dma_start3A_78 = tpu.memref_squeeze %dma_start3A_77 : memref<1x128xi32, #tpu.memory_space<vmem>> -> memref<128xi32, #tpu.memory_space<vmem>>
        %dma_start3A_79 = arith.constant 0 : i32
        %dma_start3A_80 = arith.constant 0 : i32
        %dma_start3A_81 = tpu.memref_slice %arg2[%dma_start3A_79, %dma_start3A_80] : memref<10240x128xf32, #tpu.memory_space<hbm>> -> memref<10240x128xf32, #tpu.memory_space<hbm>>
        tpu.enqueue_indirect_dma source(%dma_start3A_81 : memref<10240x128xf32, #tpu.memory_space<hbm>>) target(%arg8 : memref<128x128xf32, #tpu.memory_space<vmem>>) offsets(%dma_start3A_78 : memref<128xi32, #tpu.memory_space<vmem>>) semaphore(%arg11 : memref<!tpu.dma_semaphore, #tpu.memory_space<semaphore_mem>>)
      } else {
      }
      %add3A_70 = arith.constant 40 : i32
      %add3A_71 = arith.addi %add3A_70, %add3A_42 : i32
      %add3A_72 = arith.constant 1 : i32
      %add3A_73 = arith.addi %add3A_71, %add3A_72 : i32
      "tpu.region"() ({
        %run_scoped3A = tpu.sem_alloc : memref<!tpu.dma_semaphore, #tpu.memory_space<semaphore_mem>>
        %dma_start3A_74 = arith.constant 0 : i32
        %dma_start3A_75 = tpu.memref_slice %arg7[%add3A_73, %dma_start3A_74] : memref<80x128xi32, #tpu.memory_space<vmem>> -> memref<1x128xi32, #tpu.memory_space<vmem>>
        %dma_start3A_76 = tpu.memref_squeeze %dma_start3A_75 : memref<1x128xi32, #tpu.memory_space<vmem>> -> memref<128xi32, #tpu.memory_space<vmem>>
        %dma_start3A_77 = arith.constant 0 : i32
        %dma_start3A_78 = arith.constant 0 : i32
        %dma_start3A_79 = tpu.memref_slice %arg10[%dma_start3A_77, %dma_start3A_78] : memref<10240x128xf32, #tpu.memory_space<vmem_shared>> -> memref<10240x128xf32, #tpu.memory_space<vmem_shared>>
        tpu.enqueue_indirect_dma source(%arg9 : memref<128x128xf32, #tpu.memory_space<vmem>>) target(%dma_start3A_79 : memref<10240x128xf32, #tpu.memory_space<vmem_shared>>) offsets(%dma_start3A_76 : memref<128xi32, #tpu.memory_space<vmem>>) semaphore(%run_scoped3A : memref<!tpu.dma_semaphore, #tpu.memory_space<semaphore_mem>>) {add = true}
        %dma_wait3A_80 = arith.constant 0 : i32
        %dma_wait3A_81 = tpu.memref_slice %arg7[%add3A_73, %dma_wait3A_80] : memref<80x128xi32, #tpu.memory_space<vmem>> -> memref<1x128xi32, #tpu.memory_space<vmem>>
        %dma_wait3A_82 = tpu.memref_squeeze %dma_wait3A_81 : memref<1x128xi32, #tpu.memory_space<vmem>> -> memref<128xi32, #tpu.memory_space<vmem>>
        %dma_wait3A_83 = arith.constant 0 : i32
        %dma_wait3A_84 = arith.constant 0 : i32
        %dma_wait3A_85 = tpu.memref_slice %arg10[%dma_wait3A_83, %dma_wait3A_84] : memref<10240x128xf32, #tpu.memory_space<vmem_shared>> -> memref<10240x128xf32, #tpu.memory_space<vmem_shared>>
        tpu.wait_indirect_dma semaphore(%run_scoped3A : memref<!tpu.dma_semaphore, #tpu.memory_space<semaphore_mem>>) src(%arg9 : memref<128x128xf32, #tpu.memory_space<vmem>>) dst(%dma_wait3A_85 : memref<10240x128xf32, #tpu.memory_space<vmem_shared>>)
        tpu.yield
      }) : () -> ()
    }
    %scan3A_32 = arith.constant 20 : i32
    %barrier3A_33 = arith.constant 0 : index
    tpu.barrier barrier_id(%barrier3A_33)
    %mul3A_34 = arith.constant 640 : i32
    %mul3A_35 = arith.muli %arg1, %mul3A_34 : i32
    %mul3A_36 = arith.constant 640 : i32
    %mul3A_37 = arith.muli %arg1, %mul3A_36 : i32
    "tpu.region"() ({
      %run_scoped3A = tpu.sem_alloc : memref<!tpu.dma_semaphore, #tpu.memory_space<semaphore_mem>>
      %dma_start3A_38 = arith.constant 0 : i32
      %dma_start3A_39 = tpu.memref_slice %arg5[%arg0, %mul3A_37, %dma_start3A_38] : memref<2x10240x128xf32, #tpu.memory_space<hbm>> -> memref<1x640x128xf32, #tpu.memory_space<hbm>>
      %dma_start3A_40 = tpu.memref_squeeze %dma_start3A_39 : memref<1x640x128xf32, #tpu.memory_space<hbm>> -> memref<640x128xf32, #tpu.memory_space<hbm>>
      %dma_start3A_41 = arith.constant 0 : i32
      %dma_start3A_42 = tpu.memref_slice %arg10[%mul3A_35, %dma_start3A_41] : memref<10240x128xf32, #tpu.memory_space<vmem_shared>> -> memref<640x128xf32, #tpu.memory_space<vmem_shared>>
      tpu.enqueue_dma source(%dma_start3A_42 : memref<640x128xf32, #tpu.memory_space<vmem_shared>>) target(%dma_start3A_40 : memref<640x128xf32, #tpu.memory_space<hbm>>) target_semaphore(%run_scoped3A : memref<!tpu.dma_semaphore, #tpu.memory_space<semaphore_mem>>)
      %dma_wait3A = arith.constant 0 : i32
      %dma_wait3A_43 = tpu.memref_slice %arg5[%arg0, %mul3A_37, %dma_wait3A] : memref<2x10240x128xf32, #tpu.memory_space<hbm>> -> memref<1x640x128xf32, #tpu.memory_space<hbm>>
      %dma_wait3A_44 = tpu.memref_squeeze %dma_wait3A_43 : memref<1x640x128xf32, #tpu.memory_space<hbm>> -> memref<640x128xf32, #tpu.memory_space<hbm>>
      %dma_wait3A_45 = arith.constant 0 : i32
      %dma_wait3A_46 = tpu.memref_slice %arg10[%mul3A_35, %dma_wait3A_45] : memref<10240x128xf32, #tpu.memory_space<vmem_shared>> -> memref<640x128xf32, #tpu.memory_space<vmem_shared>>
      tpu.wait_dma2 semaphore(%run_scoped3A : memref<!tpu.dma_semaphore, #tpu.memory_space<semaphore_mem>>) src(%dma_wait3A_46 : memref<640x128xf32, #tpu.memory_space<vmem_shared>>) dst(%dma_wait3A_44 : memref<640x128xf32, #tpu.memory_space<hbm>>)
      tpu.yield
    }) : () -> ()
    return
  }
}

#map = affine_map<(d0, d1) -> (0, 0, 0)>
module attributes {stable_mosaic.version = 14 : i64} {
  func.func @_sc_degree_body(%arg0: i32, %arg1: i32, %arg2: memref<32x80x128xi32, #tpu.memory_space<hbm>>, %arg3: memref<2x10240x128xf32, #tpu.memory_space<hbm>>, %arg4: memref<80x128xi32, #tpu.memory_space<vmem>>, %arg5: memref<128x128xf32, #tpu.memory_space<vmem>>, %arg6: memref<10240x128xf32, #tpu.memory_space<vmem_shared>>, %arg7: memref<!tpu.dma_semaphore, #tpu.memory_space<semaphore_mem>>) attributes {dimension_semantics = [#tpu.dimension_semantics<core_parallel>, #tpu.dimension_semantics<subcore_parallel>], iteration_bounds = array<i64: 2, 16>, scalar_prefetch = 0 : i64, scratch_operands = 4 : i64, tpu.core_type = #tpu.core_type<sc_vector_subcore>, window_params = [{transform_indices = #map}, {transform_indices = #map}]} {
    %mul3A = arith.constant 16 : i32
    %mul3A_0 = arith.muli %arg0, %mul3A : i32
    %add3A = arith.addi %mul3A_0, %arg1 : i32
    %scan3A = arith.constant 0 : i32
    %scan3A_1 = arith.constant 128 : i32
    %scan3A_2 = arith.addi %scan3A, %scan3A_1 : i32
    %scan3A_3 = arith.constant 1 : i32
    scf.for %scan3A_25 = %scan3A to %scan3A_2 step %scan3A_3  : i32 {
      %mul3A_26 = arith.constant 1 : i32
      %mul3A_27 = arith.muli %scan3A_25, %mul3A_26 : i32
      %add3A_28 = arith.constant 0 : i32
      %add3A_29 = arith.addi %add3A_28, %mul3A_27 : i32
      %scan3A_30 = arith.constant 0 : i32
      %scan3A_31 = arith.constant 8 : i32
      %scan3A_32 = arith.addi %scan3A_30, %scan3A_31 : i32
      %scan3A_33 = arith.constant 1 : i32
      scf.for %scan3A_35 = %scan3A_30 to %scan3A_32 step %scan3A_33  : i32 {
        %mul3A_36 = arith.constant 16 : i32
        %mul3A_37 = arith.muli %scan3A_35, %mul3A_36 : i32
        %add3A_38 = arith.constant 0 : i32
        %add3A_39 = arith.addi %add3A_38, %mul3A_37 : i32
        %broadcast_in_dim3A = arith.constant 0.000000e+00 : f32
        %broadcast_in_dim3A_40 = vector.broadcast %broadcast_in_dim3A : f32 to vector<16xf32>
        %swap3A = arith.index_cast %add3A_29 : i32 to index
        %swap3A_41 = arith.index_cast %add3A_39 : i32 to index
        %swap3A_42 = tpu.vector_load %arg5[%swap3A, %swap3A_41] {strides = array<i32>} : memref<128x128xf32, #tpu.memory_space<vmem>>, vector<1x16xf32>,
        %swap3A_43 = vector.shape_cast %swap3A_42 : vector<1x16xf32> to vector<16xf32>
        %swap3A_44 = vector.shape_cast %broadcast_in_dim3A_40 : vector<16xf32> to vector<1x16xf32>
        tpu.vector_store %arg5[%swap3A, %swap3A_41], %swap3A_44 {strides = array<i32>} : memref<128x128xf32, #tpu.memory_space<vmem>>, vector<1x16xf32>,
      }
      %scan3A_34 = arith.constant 8 : i32
    }
    %scan3A_4 = arith.constant 128 : i32
    %scan3A_5 = arith.constant 0 : i32
    %scan3A_6 = arith.constant 5 : i32
    %scan3A_7 = arith.addi %scan3A_5, %scan3A_6 : i32
    %scan3A_8 = arith.constant 1 : i32
    scf.for %scan3A_25 = %scan3A_5 to %scan3A_7 step %scan3A_8  : i32 {
      %mul3A_26 = arith.constant 128 : i32
      %mul3A_27 = arith.muli %scan3A_25, %mul3A_26 : i32
      %add3A_28 = arith.constant 0 : i32
      %add3A_29 = arith.addi %add3A_28, %mul3A_27 : i32
      %mul3A_30 = arith.constant 640 : i32
      %mul3A_31 = arith.muli %arg1, %mul3A_30 : i32
      %add3A_32 = arith.addi %mul3A_31, %add3A_29 : i32
      "tpu.region"() ({
        %run_scoped3A = tpu.sem_alloc : memref<!tpu.dma_semaphore, #tpu.memory_space<semaphore_mem>>
        %dma_start3A = arith.constant 0 : i32
        %dma_start3A_33 = tpu.memref_slice %arg6[%add3A_32, %dma_start3A] : memref<10240x128xf32, #tpu.memory_space<vmem_shared>> -> memref<128x128xf32, #tpu.memory_space<vmem_shared>>
        %dma_start3A_34 = arith.constant 0 : i32
        %dma_start3A_35 = tpu.memref_slice %arg6[%add3A_32, %dma_start3A_34] : memref<10240x128xf32, #tpu.memory_space<vmem_shared>> -> memref<128x128xf32, #tpu.memory_space<vmem_shared>>
        tpu.enqueue_dma source(%arg5 : memref<128x128xf32, #tpu.memory_space<vmem>>) target(%dma_start3A_35 : memref<128x128xf32, #tpu.memory_space<vmem_shared>>) target_semaphore(%run_scoped3A : memref<!tpu.dma_semaphore, #tpu.memory_space<semaphore_mem>>)
        %dma_wait3A = arith.constant 0 : i32
        %dma_wait3A_36 = tpu.memref_slice %arg6[%add3A_32, %dma_wait3A] : memref<10240x128xf32, #tpu.memory_space<vmem_shared>> -> memref<128x128xf32, #tpu.memory_space<vmem_shared>>
        %dma_wait3A_37 = arith.constant 0 : i32
        %dma_wait3A_38 = tpu.memref_slice %arg6[%add3A_32, %dma_wait3A_37] : memref<10240x128xf32, #tpu.memory_space<vmem_shared>> -> memref<128x128xf32, #tpu.memory_space<vmem_shared>>
        tpu.wait_dma2 semaphore(%run_scoped3A : memref<!tpu.dma_semaphore, #tpu.memory_space<semaphore_mem>>) src(%arg5 : memref<128x128xf32, #tpu.memory_space<vmem>>) dst(%dma_wait3A_38 : memref<128x128xf32, #tpu.memory_space<vmem_shared>>)
        tpu.yield
      }) : () -> ()
    }
    %scan3A_9 = arith.constant 5 : i32
    %scan3A_10 = arith.constant 0 : i32
    %scan3A_11 = arith.constant 128 : i32
    %scan3A_12 = arith.addi %scan3A_10, %scan3A_11 : i32
    %scan3A_13 = arith.constant 1 : i32
    scf.for %scan3A_25 = %scan3A_10 to %scan3A_12 step %scan3A_13  : i32 {
      %mul3A_26 = arith.constant 1 : i32
      %mul3A_27 = arith.muli %scan3A_25, %mul3A_26 : i32
      %add3A_28 = arith.constant 0 : i32
      %add3A_29 = arith.addi %add3A_28, %mul3A_27 : i32
      %scan3A_30 = arith.constant 0 : i32
      %scan3A_31 = arith.constant 8 : i32
      %scan3A_32 = arith.addi %scan3A_30, %scan3A_31 : i32
      %scan3A_33 = arith.constant 1 : i32
      scf.for %scan3A_35 = %scan3A_30 to %scan3A_32 step %scan3A_33  : i32 {
        %mul3A_36 = arith.constant 16 : i32
        %mul3A_37 = arith.muli %scan3A_35, %mul3A_36 : i32
        %add3A_38 = arith.constant 0 : i32
        %add3A_39 = arith.addi %add3A_38, %mul3A_37 : i32
        %broadcast_in_dim3A = arith.constant 1.000000e+00 : f32
        %broadcast_in_dim3A_40 = vector.broadcast %broadcast_in_dim3A : f32 to vector<16xf32>
        %swap3A = arith.index_cast %add3A_29 : i32 to index
        %swap3A_41 = arith.index_cast %add3A_39 : i32 to index
        %swap3A_42 = tpu.vector_load %arg5[%swap3A, %swap3A_41] {strides = array<i32>} : memref<128x128xf32, #tpu.memory_space<vmem>>, vector<1x16xf32>,
        %swap3A_43 = vector.shape_cast %swap3A_42 : vector<1x16xf32> to vector<16xf32>
        %swap3A_44 = vector.shape_cast %broadcast_in_dim3A_40 : vector<16xf32> to vector<1x16xf32>
        tpu.vector_store %arg5[%swap3A, %swap3A_41], %swap3A_44 {strides = array<i32>} : memref<128x128xf32, #tpu.memory_space<vmem>>, vector<1x16xf32>,
      }
      %scan3A_34 = arith.constant 8 : i32
    }
    %scan3A_14 = arith.constant 128 : i32
    %barrier3A = arith.constant 0 : index
    tpu.barrier barrier_id(%barrier3A)
    "tpu.region"() ({
      %run_scoped3A = tpu.sem_alloc : memref<!tpu.dma_semaphore, #tpu.memory_space<semaphore_mem>>
      %dma_start3A = arith.constant 0 : i32
      %dma_start3A_25 = arith.constant 0 : i32
      %dma_start3A_26 = tpu.memref_slice %arg2[%add3A, %dma_start3A, %dma_start3A_25] : memref<32x80x128xi32, #tpu.memory_space<hbm>> -> memref<1x80x128xi32, #tpu.memory_space<hbm>>
      %dma_start3A_27 = tpu.memref_squeeze %dma_start3A_26 : memref<1x80x128xi32, #tpu.memory_space<hbm>> -> memref<80x128xi32, #tpu.memory_space<hbm>>
      %dma_start3A_28 = arith.constant 0 : i32
      %dma_start3A_29 = arith.constant 0 : i32
      %dma_start3A_30 = tpu.memref_slice %arg2[%add3A, %dma_start3A_28, %dma_start3A_29] : memref<32x80x128xi32, #tpu.memory_space<hbm>> -> memref<1x80x128xi32, #tpu.memory_space<hbm>>
      %dma_start3A_31 = tpu.memref_squeeze %dma_start3A_30 : memref<1x80x128xi32, #tpu.memory_space<hbm>> -> memref<80x128xi32, #tpu.memory_space<hbm>>
      tpu.enqueue_dma source(%dma_start3A_31 : memref<80x128xi32, #tpu.memory_space<hbm>>) target(%arg4 : memref<80x128xi32, #tpu.memory_space<vmem>>) target_semaphore(%run_scoped3A : memref<!tpu.dma_semaphore, #tpu.memory_space<semaphore_mem>>)
      %dma_wait3A = arith.constant 0 : i32
      %dma_wait3A_32 = arith.constant 0 : i32
      %dma_wait3A_33 = tpu.memref_slice %arg2[%add3A, %dma_wait3A, %dma_wait3A_32] : memref<32x80x128xi32, #tpu.memory_space<hbm>> -> memref<1x80x128xi32, #tpu.memory_space<hbm>>
      %dma_wait3A_34 = tpu.memref_squeeze %dma_wait3A_33 : memref<1x80x128xi32, #tpu.memory_space<hbm>> -> memref<80x128xi32, #tpu.memory_space<hbm>>
      %dma_wait3A_35 = arith.constant 0 : i32
      %dma_wait3A_36 = arith.constant 0 : i32
      %dma_wait3A_37 = tpu.memref_slice %arg2[%add3A, %dma_wait3A_35, %dma_wait3A_36] : memref<32x80x128xi32, #tpu.memory_space<hbm>> -> memref<1x80x128xi32, #tpu.memory_space<hbm>>
      %dma_wait3A_38 = tpu.memref_squeeze %dma_wait3A_37 : memref<1x80x128xi32, #tpu.memory_space<hbm>> -> memref<80x128xi32, #tpu.memory_space<hbm>>
      tpu.wait_dma2 semaphore(%run_scoped3A : memref<!tpu.dma_semaphore, #tpu.memory_space<semaphore_mem>>) src(%dma_wait3A_38 : memref<80x128xi32, #tpu.memory_space<hbm>>) dst(%arg4 : memref<80x128xi32, #tpu.memory_space<vmem>>)
      tpu.yield
    }) : () -> ()
    %scan3A_15 = arith.constant 0 : i32
    %scan3A_16 = arith.constant 80 : i32
    %scan3A_17 = arith.addi %scan3A_15, %scan3A_16 : i32
    %scan3A_18 = arith.constant 1 : i32
    scf.for %scan3A_25 = %scan3A_15 to %scan3A_17 step %scan3A_18  : i32 {
      %mul3A_26 = arith.constant 1 : i32
      %mul3A_27 = arith.muli %scan3A_25, %mul3A_26 : i32
      %add3A_28 = arith.constant 0 : i32
      %add3A_29 = arith.addi %add3A_28, %mul3A_27 : i32
      "tpu.region"() ({
        %run_scoped3A = tpu.sem_alloc : memref<!tpu.dma_semaphore, #tpu.memory_space<semaphore_mem>>
        %dma_start3A = arith.constant 0 : i32
        %dma_start3A_30 = tpu.memref_slice %arg4[%add3A_29, %dma_start3A] : memref<80x128xi32, #tpu.memory_space<vmem>> -> memref<1x128xi32, #tpu.memory_space<vmem>>
        %dma_start3A_31 = tpu.memref_squeeze %dma_start3A_30 : memref<1x128xi32, #tpu.memory_space<vmem>> -> memref<128xi32, #tpu.memory_space<vmem>>
        %dma_start3A_32 = arith.constant 0 : i32
        %dma_start3A_33 = arith.constant 0 : i32
        %dma_start3A_34 = tpu.memref_slice %arg6[%dma_start3A_32, %dma_start3A_33] : memref<10240x128xf32, #tpu.memory_space<vmem_shared>> -> memref<10240x128xf32, #tpu.memory_space<vmem_shared>>
        tpu.enqueue_indirect_dma source(%arg5 : memref<128x128xf32, #tpu.memory_space<vmem>>) target(%dma_start3A_34 : memref<10240x128xf32, #tpu.memory_space<vmem_shared>>) offsets(%dma_start3A_31 : memref<128xi32, #tpu.memory_space<vmem>>) semaphore(%run_scoped3A : memref<!tpu.dma_semaphore, #tpu.memory_space<semaphore_mem>>) {add = true}
        %dma_wait3A = arith.constant 0 : i32
        %dma_wait3A_35 = tpu.memref_slice %arg4[%add3A_29, %dma_wait3A] : memref<80x128xi32, #tpu.memory_space<vmem>> -> memref<1x128xi32, #tpu.memory_space<vmem>>
        %dma_wait3A_36 = tpu.memref_squeeze %dma_wait3A_35 : memref<1x128xi32, #tpu.memory_space<vmem>> -> memref<128xi32, #tpu.memory_space<vmem>>
        %dma_wait3A_37 = arith.constant 0 : i32
        %dma_wait3A_38 = arith.constant 0 : i32
        %dma_wait3A_39 = tpu.memref_slice %arg6[%dma_wait3A_37, %dma_wait3A_38] : memref<10240x128xf32, #tpu.memory_space<vmem_shared>> -> memref<10240x128xf32, #tpu.memory_space<vmem_shared>>
        tpu.wait_indirect_dma semaphore(%run_scoped3A : memref<!tpu.dma_semaphore, #tpu.memory_space<semaphore_mem>>) src(%arg5 : memref<128x128xf32, #tpu.memory_space<vmem>>) dst(%dma_wait3A_39 : memref<10240x128xf32, #tpu.memory_space<vmem_shared>>)
        tpu.yield
      }) : () -> ()
    }
    %scan3A_19 = arith.constant 80 : i32
    %barrier3A_20 = arith.constant 0 : index
    tpu.barrier barrier_id(%barrier3A_20)
    %mul3A_21 = arith.constant 640 : i32
    %mul3A_22 = arith.muli %arg1, %mul3A_21 : i32
    %mul3A_23 = arith.constant 640 : i32
    %mul3A_24 = arith.muli %arg1, %mul3A_23 : i32
    "tpu.region"() ({
      %run_scoped3A = tpu.sem_alloc : memref<!tpu.dma_semaphore, #tpu.memory_space<semaphore_mem>>
      %dma_start3A = arith.constant 0 : i32
      %dma_start3A_25 = tpu.memref_slice %arg3[%arg0, %mul3A_24, %dma_start3A] : memref<2x10240x128xf32, #tpu.memory_space<hbm>> -> memref<1x640x128xf32, #tpu.memory_space<hbm>>
      %dma_start3A_26 = tpu.memref_squeeze %dma_start3A_25 : memref<1x640x128xf32, #tpu.memory_space<hbm>> -> memref<640x128xf32, #tpu.memory_space<hbm>>
      %dma_start3A_27 = arith.constant 0 : i32
      %dma_start3A_28 = tpu.memref_slice %arg6[%mul3A_22, %dma_start3A_27] : memref<10240x128xf32, #tpu.memory_space<vmem_shared>> -> memref<640x128xf32, #tpu.memory_space<vmem_shared>>
      tpu.enqueue_dma source(%dma_start3A_28 : memref<640x128xf32, #tpu.memory_space<vmem_shared>>) target(%dma_start3A_26 : memref<640x128xf32, #tpu.memory_space<hbm>>) target_semaphore(%run_scoped3A : memref<!tpu.dma_semaphore, #tpu.memory_space<semaphore_mem>>)
      %dma_wait3A = arith.constant 0 : i32
      %dma_wait3A_29 = tpu.memref_slice %arg3[%arg0, %mul3A_24, %dma_wait3A] : memref<2x10240x128xf32, #tpu.memory_space<hbm>> -> memref<1x640x128xf32, #tpu.memory_space<hbm>>
      %dma_wait3A_30 = tpu.memref_squeeze %dma_wait3A_29 : memref<1x640x128xf32, #tpu.memory_space<hbm>> -> memref<640x128xf32, #tpu.memory_space<hbm>>
      %dma_wait3A_31 = arith.constant 0 : i32
      %dma_wait3A_32 = tpu.memref_slice %arg6[%mul3A_22, %dma_wait3A_31] : memref<10240x128xf32, #tpu.memory_space<vmem_shared>> -> memref<640x128xf32, #tpu.memory_space<vmem_shared>>
      tpu.wait_dma2 semaphore(%run_scoped3A : memref<!tpu.dma_semaphore, #tpu.memory_space<semaphore_mem>>) src(%dma_wait3A_32 : memref<640x128xf32, #tpu.memory_space<vmem_shared>>) dst(%dma_wait3A_30 : memref<640x128xf32, #tpu.memory_space<hbm>>)
      tpu.yield
    }) : () -> ()
    return
  }
}

#map = affine_map<(d0, d1) -> (0, 0)>
#map1 = affine_map<(d0, d1) -> (0, 0, 0)>
module attributes {stable_mosaic.version = 14 : i64} {
  func.func @_sc_agg_body(%arg0: i32, %arg1: i32, %arg2: memref<10240x128xf32, #tpu.memory_space<hbm>>, %arg3: memref<32x80x128xi32, #tpu.memory_space<hbm>>, %arg4: memref<32x80x128xi32, #tpu.memory_space<hbm>>, %arg5: memref<2x10240x128xf32, #tpu.memory_space<hbm>>, %arg6: memref<40x128xi32, #tpu.memory_space<vmem>>, %arg7: memref<80x128xi32, #tpu.memory_space<vmem>>, %arg8: memref<128x128xf32, #tpu.memory_space<vmem>>, %arg9: memref<128x128xf32, #tpu.memory_space<vmem>>, %arg10: memref<10240x128xf32, #tpu.memory_space<vmem_shared>>, %arg11: memref<!tpu.dma_semaphore, #tpu.memory_space<semaphore_mem>>, %arg12: memref<!tpu.dma_semaphore, #tpu.memory_space<semaphore_mem>>) attributes {dimension_semantics = [#tpu.dimension_semantics<core_parallel>, #tpu.dimension_semantics<subcore_parallel>], iteration_bounds = array<i64: 2, 16>, scalar_prefetch = 0 : i64, scratch_operands = 7 : i64, tpu.core_type = #tpu.core_type<sc_vector_subcore>, window_params = [{transform_indices = #map}, {transform_indices = #map1}, {transform_indices = #map1}, {transform_indices = #map1}]} {
    %mul3A = arith.constant 16 : i32
    %mul3A_0 = arith.muli %arg0, %mul3A : i32
    %add3A = arith.addi %mul3A_0, %arg1 : i32
    %scan3A = arith.constant 0 : i32
    %scan3A_1 = arith.constant 128 : i32
    %scan3A_2 = arith.addi %scan3A, %scan3A_1 : i32
    %scan3A_3 = arith.constant 1 : i32
    scf.for %scan3A_38 = %scan3A to %scan3A_2 step %scan3A_3  : i32 {
      %mul3A_39 = arith.constant 1 : i32
      %mul3A_40 = arith.muli %scan3A_38, %mul3A_39 : i32
      %add3A_41 = arith.constant 0 : i32
      %add3A_42 = arith.addi %add3A_41, %mul3A_40 : i32
      %scan3A_43 = arith.constant 0 : i32
      %scan3A_44 = arith.constant 8 : i32
      %scan3A_45 = arith.addi %scan3A_43, %scan3A_44 : i32
      %scan3A_46 = arith.constant 1 : i32
      scf.for %scan3A_48 = %scan3A_43 to %scan3A_45 step %scan3A_46  : i32 {
        %mul3A_49 = arith.constant 16 : i32
        %mul3A_50 = arith.muli %scan3A_48, %mul3A_49 : i32
        %add3A_51 = arith.constant 0 : i32
        %add3A_52 = arith.addi %add3A_51, %mul3A_50 : i32
        %broadcast_in_dim3A = arith.constant 0.000000e+00 : f32
        %broadcast_in_dim3A_53 = vector.broadcast %broadcast_in_dim3A : f32 to vector<16xf32>
        %swap3A = arith.index_cast %add3A_42 : i32 to index
        %swap3A_54 = arith.index_cast %add3A_52 : i32 to index
        %swap3A_55 = tpu.vector_load %arg8[%swap3A, %swap3A_54] {strides = array<i32>} : memref<128x128xf32, #tpu.memory_space<vmem>>, vector<1x16xf32>,
        %swap3A_56 = vector.shape_cast %swap3A_55 : vector<1x16xf32> to vector<16xf32>
        %swap3A_57 = vector.shape_cast %broadcast_in_dim3A_53 : vector<16xf32> to vector<1x16xf32>
        tpu.vector_store %arg8[%swap3A, %swap3A_54], %swap3A_57 {strides = array<i32>} : memref<128x128xf32, #tpu.memory_space<vmem>>, vector<1x16xf32>,
      }
      %scan3A_47 = arith.constant 8 : i32
    }
    %scan3A_4 = arith.constant 128 : i32
    %scan3A_5 = arith.constant 0 : i32
    %scan3A_6 = arith.constant 5 : i32
    %scan3A_7 = arith.addi %scan3A_5, %scan3A_6 : i32
    %scan3A_8 = arith.constant 1 : i32
    scf.for %scan3A_38 = %scan3A_5 to %scan3A_7 step %scan3A_8  : i32 {
      %mul3A_39 = arith.constant 128 : i32
      %mul3A_40 = arith.muli %scan3A_38, %mul3A_39 : i32
      %add3A_41 = arith.constant 0 : i32
      %add3A_42 = arith.addi %add3A_41, %mul3A_40 : i32
      %mul3A_43 = arith.constant 640 : i32
      %mul3A_44 = arith.muli %arg1, %mul3A_43 : i32
      %add3A_45 = arith.addi %mul3A_44, %add3A_42 : i32
      "tpu.region"() ({
        %run_scoped3A = tpu.sem_alloc : memref<!tpu.dma_semaphore, #tpu.memory_space<semaphore_mem>>
        %dma_start3A_46 = arith.constant 0 : i32
        %dma_start3A_47 = tpu.memref_slice %arg10[%add3A_45, %dma_start3A_46] : memref<10240x128xf32, #tpu.memory_space<vmem_shared>> -> memref<128x128xf32, #tpu.memory_space<vmem_shared>>
        %dma_start3A_48 = arith.constant 0 : i32
        %dma_start3A_49 = tpu.memref_slice %arg10[%add3A_45, %dma_start3A_48] : memref<10240x128xf32, #tpu.memory_space<vmem_shared>> -> memref<128x128xf32, #tpu.memory_space<vmem_shared>>
        tpu.enqueue_dma source(%arg8 : memref<128x128xf32, #tpu.memory_space<vmem>>) target(%dma_start3A_49 : memref<128x128xf32, #tpu.memory_space<vmem_shared>>) target_semaphore(%run_scoped3A : memref<!tpu.dma_semaphore, #tpu.memory_space<semaphore_mem>>)
        %dma_wait3A = arith.constant 0 : i32
        %dma_wait3A_50 = tpu.memref_slice %arg10[%add3A_45, %dma_wait3A] : memref<10240x128xf32, #tpu.memory_space<vmem_shared>> -> memref<128x128xf32, #tpu.memory_space<vmem_shared>>
        %dma_wait3A_51 = arith.constant 0 : i32
        %dma_wait3A_52 = tpu.memref_slice %arg10[%add3A_45, %dma_wait3A_51] : memref<10240x128xf32, #tpu.memory_space<vmem_shared>> -> memref<128x128xf32, #tpu.memory_space<vmem_shared>>
        tpu.wait_dma2 semaphore(%run_scoped3A : memref<!tpu.dma_semaphore, #tpu.memory_space<semaphore_mem>>) src(%arg8 : memref<128x128xf32, #tpu.memory_space<vmem>>) dst(%dma_wait3A_52 : memref<128x128xf32, #tpu.memory_space<vmem_shared>>)
        tpu.yield
      }) : () -> ()
    }
    %scan3A_9 = arith.constant 5 : i32
    %barrier3A = arith.constant 0 : index
    tpu.barrier barrier_id(%barrier3A)
    "tpu.region"() ({
      %run_scoped3A = tpu.sem_alloc : memref<!tpu.dma_semaphore, #tpu.memory_space<semaphore_mem>>
      %dma_start3A_38 = arith.constant 0 : i32
      %dma_start3A_39 = arith.constant 0 : i32
      %dma_start3A_40 = tpu.memref_slice %arg4[%add3A, %dma_start3A_38, %dma_start3A_39] : memref<32x80x128xi32, #tpu.memory_space<hbm>> -> memref<1x80x128xi32, #tpu.memory_space<hbm>>
      %dma_start3A_41 = tpu.memref_squeeze %dma_start3A_40 : memref<1x80x128xi32, #tpu.memory_space<hbm>> -> memref<80x128xi32, #tpu.memory_space<hbm>>
      %dma_start3A_42 = arith.constant 0 : i32
      %dma_start3A_43 = arith.constant 0 : i32
      %dma_start3A_44 = tpu.memref_slice %arg4[%add3A, %dma_start3A_42, %dma_start3A_43] : memref<32x80x128xi32, #tpu.memory_space<hbm>> -> memref<1x80x128xi32, #tpu.memory_space<hbm>>
      %dma_start3A_45 = tpu.memref_squeeze %dma_start3A_44 : memref<1x80x128xi32, #tpu.memory_space<hbm>> -> memref<80x128xi32, #tpu.memory_space<hbm>>
      tpu.enqueue_dma source(%dma_start3A_45 : memref<80x128xi32, #tpu.memory_space<hbm>>) target(%arg7 : memref<80x128xi32, #tpu.memory_space<vmem>>) target_semaphore(%run_scoped3A : memref<!tpu.dma_semaphore, #tpu.memory_space<semaphore_mem>>)
      %dma_wait3A = arith.constant 0 : i32
      %dma_wait3A_46 = arith.constant 0 : i32
      %dma_wait3A_47 = tpu.memref_slice %arg4[%add3A, %dma_wait3A, %dma_wait3A_46] : memref<32x80x128xi32, #tpu.memory_space<hbm>> -> memref<1x80x128xi32, #tpu.memory_space<hbm>>
      %dma_wait3A_48 = tpu.memref_squeeze %dma_wait3A_47 : memref<1x80x128xi32, #tpu.memory_space<hbm>> -> memref<80x128xi32, #tpu.memory_space<hbm>>
      %dma_wait3A_49 = arith.constant 0 : i32
      %dma_wait3A_50 = arith.constant 0 : i32
      %dma_wait3A_51 = tpu.memref_slice %arg4[%add3A, %dma_wait3A_49, %dma_wait3A_50] : memref<32x80x128xi32, #tpu.memory_space<hbm>> -> memref<1x80x128xi32, #tpu.memory_space<hbm>>
      %dma_wait3A_52 = tpu.memref_squeeze %dma_wait3A_51 : memref<1x80x128xi32, #tpu.memory_space<hbm>> -> memref<80x128xi32, #tpu.memory_space<hbm>>
      tpu.wait_dma2 semaphore(%run_scoped3A : memref<!tpu.dma_semaphore, #tpu.memory_space<semaphore_mem>>) src(%dma_wait3A_52 : memref<80x128xi32, #tpu.memory_space<hbm>>) dst(%arg7 : memref<80x128xi32, #tpu.memory_space<vmem>>)
      tpu.yield
    }) : () -> ()
    "tpu.region"() ({
      %run_scoped3A = tpu.sem_alloc : memref<!tpu.dma_semaphore, #tpu.memory_space<semaphore_mem>>
      %dma_start3A_38 = arith.constant 0 : i32
      %dma_start3A_39 = arith.constant 0 : i32
      %dma_start3A_40 = tpu.memref_slice %arg3[%add3A, %dma_start3A_38, %dma_start3A_39] : memref<32x80x128xi32, #tpu.memory_space<hbm>> -> memref<1x40x128xi32, #tpu.memory_space<hbm>>
      %dma_start3A_41 = tpu.memref_squeeze %dma_start3A_40 : memref<1x40x128xi32, #tpu.memory_space<hbm>> -> memref<40x128xi32, #tpu.memory_space<hbm>>
      %dma_start3A_42 = arith.constant 0 : i32
      %dma_start3A_43 = arith.constant 0 : i32
      %dma_start3A_44 = tpu.memref_slice %arg3[%add3A, %dma_start3A_42, %dma_start3A_43] : memref<32x80x128xi32, #tpu.memory_space<hbm>> -> memref<1x40x128xi32, #tpu.memory_space<hbm>>
      %dma_start3A_45 = tpu.memref_squeeze %dma_start3A_44 : memref<1x40x128xi32, #tpu.memory_space<hbm>> -> memref<40x128xi32, #tpu.memory_space<hbm>>
      tpu.enqueue_dma source(%dma_start3A_45 : memref<40x128xi32, #tpu.memory_space<hbm>>) target(%arg6 : memref<40x128xi32, #tpu.memory_space<vmem>>) target_semaphore(%run_scoped3A : memref<!tpu.dma_semaphore, #tpu.memory_space<semaphore_mem>>)
      %dma_wait3A = arith.constant 0 : i32
      %dma_wait3A_46 = arith.constant 0 : i32
      %dma_wait3A_47 = tpu.memref_slice %arg3[%add3A, %dma_wait3A, %dma_wait3A_46] : memref<32x80x128xi32, #tpu.memory_space<hbm>> -> memref<1x40x128xi32, #tpu.memory_space<hbm>>
      %dma_wait3A_48 = tpu.memref_squeeze %dma_wait3A_47 : memref<1x40x128xi32, #tpu.memory_space<hbm>> -> memref<40x128xi32, #tpu.memory_space<hbm>>
      %dma_wait3A_49 = arith.constant 0 : i32
      %dma_wait3A_50 = arith.constant 0 : i32
      %dma_wait3A_51 = tpu.memref_slice %arg3[%add3A, %dma_wait3A_49, %dma_wait3A_50] : memref<32x80x128xi32, #tpu.memory_space<hbm>> -> memref<1x40x128xi32, #tpu.memory_space<hbm>>
      %dma_wait3A_52 = tpu.memref_squeeze %dma_wait3A_51 : memref<1x40x128xi32, #tpu.memory_space<hbm>> -> memref<40x128xi32, #tpu.memory_space<hbm>>
      tpu.wait_dma2 semaphore(%run_scoped3A : memref<!tpu.dma_semaphore, #tpu.memory_space<semaphore_mem>>) src(%dma_wait3A_52 : memref<40x128xi32, #tpu.memory_space<hbm>>) dst(%arg6 : memref<40x128xi32, #tpu.memory_space<vmem>>)
      tpu.yield
    }) : () -> ()
    %dma_start3A = arith.constant 0 : i32
    %dma_start3A_10 = arith.constant 0 : i32
    %dma_start3A_11 = tpu.memref_slice %arg6[%dma_start3A, %dma_start3A_10] : memref<40x128xi32, #tpu.memory_space<vmem>> -> memref<1x128xi32, #tpu.memory_space<vmem>>
    %dma_start3A_12 = tpu.memref_squeeze %dma_start3A_11 : memref<1x128xi32, #tpu.memory_space<vmem>> -> memref<128xi32, #tpu.memory_space<vmem>>
    %dma_start3A_13 = arith.constant 0 : i32
    %dma_start3A_14 = arith.constant 0 : i32
    %dma_start3A_15 = tpu.memref_slice %arg2[%dma_start3A_13, %dma_start3A_14] : memref<10240x128xf32, #tpu.memory_space<hbm>> -> memref<10240x128xf32, #tpu.memory_space<hbm>>
    tpu.enqueue_indirect_dma source(%dma_start3A_15 : memref<10240x128xf32, #tpu.memory_space<hbm>>) target(%arg8 : memref<128x128xf32, #tpu.memory_space<vmem>>) offsets(%dma_start3A_12 : memref<128xi32, #tpu.memory_space<vmem>>) semaphore(%arg11 : memref<!tpu.dma_semaphore, #tpu.memory_space<semaphore_mem>>)
    %scan3A_16 = arith.constant 0 : i32
    %scan3A_17 = arith.constant 20 : i32
    %scan3A_18 = arith.addi %scan3A_16, %scan3A_17 : i32
    %scan3A_19 = arith.constant 1 : i32
    scf.for %scan3A_38 = %scan3A_16 to %scan3A_18 step %scan3A_19  : i32 {
      %mul3A_39 = arith.constant 2 : i32
      %mul3A_40 = arith.muli %scan3A_38, %mul3A_39 : i32
      %add3A_41 = arith.constant 0 : i32
      %add3A_42 = arith.addi %add3A_41, %mul3A_40 : i32
      %dma_wait3A = arith.constant 0 : i32
      %dma_wait3A_43 = tpu.memref_slice %arg6[%add3A_42, %dma_wait3A] : memref<40x128xi32, #tpu.memory_space<vmem>> -> memref<1x128xi32, #tpu.memory_space<vmem>>
      %dma_wait3A_44 = tpu.memref_squeeze %dma_wait3A_43 : memref<1x128xi32, #tpu.memory_space<vmem>> -> memref<128xi32, #tpu.memory_space<vmem>>
      %dma_wait3A_45 = arith.constant 0 : i32
      %dma_wait3A_46 = arith.constant 0 : i32
      %dma_wait3A_47 = tpu.memref_slice %arg2[%dma_wait3A_45, %dma_wait3A_46] : memref<10240x128xf32, #tpu.memory_space<hbm>> -> memref<10240x128xf32, #tpu.memory_space<hbm>>
      tpu.wait_indirect_dma semaphore(%arg11 : memref<!tpu.dma_semaphore, #tpu.memory_space<semaphore_mem>>) src(%dma_wait3A_47 : memref<10240x128xf32, #tpu.memory_space<hbm>>) dst(%arg8 : memref<128x128xf32, #tpu.memory_space<vmem>>)
      %add3A_48 = arith.constant 1 : i32
      %add3A_49 = arith.addi %add3A_42, %add3A_48 : i32
      %dma_start3A_50 = arith.constant 0 : i32
      %dma_start3A_51 = tpu.memref_slice %arg6[%add3A_49, %dma_start3A_50] : memref<40x128xi32, #tpu.memory_space<vmem>> -> memref<1x128xi32, #tpu.memory_space<vmem>>
      %dma_start3A_52 = tpu.memref_squeeze %dma_start3A_51 : memref<1x128xi32, #tpu.memory_space<vmem>> -> memref<128xi32, #tpu.memory_space<vmem>>
      %dma_start3A_53 = arith.constant 0 : i32
      %dma_start3A_54 = arith.constant 0 : i32
      %dma_start3A_55 = tpu.memref_slice %arg2[%dma_start3A_53, %dma_start3A_54] : memref<10240x128xf32, #tpu.memory_space<hbm>> -> memref<10240x128xf32, #tpu.memory_space<hbm>>
      tpu.enqueue_indirect_dma source(%dma_start3A_55 : memref<10240x128xf32, #tpu.memory_space<hbm>>) target(%arg9 : memref<128x128xf32, #tpu.memory_space<vmem>>) offsets(%dma_start3A_52 : memref<128xi32, #tpu.memory_space<vmem>>) semaphore(%arg12 : memref<!tpu.dma_semaphore, #tpu.memory_space<semaphore_mem>>)
      %add3A_56 = arith.constant 0 : i32
      %add3A_57 = arith.addi %add3A_56, %add3A_42 : i32
      "tpu.region"() ({
        %run_scoped3A = tpu.sem_alloc : memref<!tpu.dma_semaphore, #tpu.memory_space<semaphore_mem>>
        %dma_start3A_74 = arith.constant 0 : i32
        %dma_start3A_75 = tpu.memref_slice %arg7[%add3A_57, %dma_start3A_74] : memref<80x128xi32, #tpu.memory_space<vmem>> -> memref<1x128xi32, #tpu.memory_space<vmem>>
        %dma_start3A_76 = tpu.memref_squeeze %dma_start3A_75 : memref<1x128xi32, #tpu.memory_space<vmem>> -> memref<128xi32, #tpu.memory_space<vmem>>
        %dma_start3A_77 = arith.constant 0 : i32
        %dma_start3A_78 = arith.constant 0 : i32
        %dma_start3A_79 = tpu.memref_slice %arg10[%dma_start3A_77, %dma_start3A_78] : memref<10240x128xf32, #tpu.memory_space<vmem_shared>> -> memref<10240x128xf32, #tpu.memory_space<vmem_shared>>
        tpu.enqueue_indirect_dma source(%arg8 : memref<128x128xf32, #tpu.memory_space<vmem>>) target(%dma_start3A_79 : memref<10240x128xf32, #tpu.memory_space<vmem_shared>>) offsets(%dma_start3A_76 : memref<128xi32, #tpu.memory_space<vmem>>) semaphore(%run_scoped3A : memref<!tpu.dma_semaphore, #tpu.memory_space<semaphore_mem>>) {add = true}
        %dma_wait3A_80 = arith.constant 0 : i32
        %dma_wait3A_81 = tpu.memref_slice %arg7[%add3A_57, %dma_wait3A_80] : memref<80x128xi32, #tpu.memory_space<vmem>> -> memref<1x128xi32, #tpu.memory_space<vmem>>
        %dma_wait3A_82 = tpu.memref_squeeze %dma_wait3A_81 : memref<1x128xi32, #tpu.memory_space<vmem>> -> memref<128xi32, #tpu.memory_space<vmem>>
        %dma_wait3A_83 = arith.constant 0 : i32
        %dma_wait3A_84 = arith.constant 0 : i32
        %dma_wait3A_85 = tpu.memref_slice %arg10[%dma_wait3A_83, %dma_wait3A_84] : memref<10240x128xf32, #tpu.memory_space<vmem_shared>> -> memref<10240x128xf32, #tpu.memory_space<vmem_shared>>
        tpu.wait_indirect_dma semaphore(%run_scoped3A : memref<!tpu.dma_semaphore, #tpu.memory_space<semaphore_mem>>) src(%arg8 : memref<128x128xf32, #tpu.memory_space<vmem>>) dst(%dma_wait3A_85 : memref<10240x128xf32, #tpu.memory_space<vmem_shared>>)
        tpu.yield
      }) : () -> ()
      %add3A_58 = arith.constant 1 : i32
      %add3A_59 = arith.addi %add3A_42, %add3A_58 : i32
      %dma_wait3A_60 = arith.constant 0 : i32
      %dma_wait3A_61 = tpu.memref_slice %arg6[%add3A_59, %dma_wait3A_60] : memref<40x128xi32, #tpu.memory_space<vmem>> -> memref<1x128xi32, #tpu.memory_space<vmem>>
      %dma_wait3A_62 = tpu.memref_squeeze %dma_wait3A_61 : memref<1x128xi32, #tpu.memory_space<vmem>> -> memref<128xi32, #tpu.memory_space<vmem>>
      %dma_wait3A_63 = arith.constant 0 : i32
      %dma_wait3A_64 = arith.constant 0 : i32
      %dma_wait3A_65 = tpu.memref_slice %arg2[%dma_wait3A_63, %dma_wait3A_64] : memref<10240x128xf32, #tpu.memory_space<hbm>> -> memref<10240x128xf32, #tpu.memory_space<hbm>>
      tpu.wait_indirect_dma semaphore(%arg12 : memref<!tpu.dma_semaphore, #tpu.memory_space<semaphore_mem>>) src(%dma_wait3A_65 : memref<10240x128xf32, #tpu.memory_space<hbm>>) dst(%arg9 : memref<128x128xf32, #tpu.memory_space<vmem>>)
      %add3A_66 = arith.constant 2 : i32
      %add3A_67 = arith.addi %add3A_42, %add3A_66 : i32
      %lt3A = arith.constant 40 : i32
      %lt3A_68 = arith.cmpi slt, %add3A_67, %lt3A : i32
      %convert_element_type3A = arith.extui %lt3A_68 : i1 to i32
      %cond3A = arith.constant 0 : i32
      %cond3A_69 = arith.cmpi ne, %convert_element_type3A, %cond3A : i32
      scf.if %cond3A_69 {
        %add3A_74 = arith.constant 2 : i32
        %add3A_75 = arith.addi %add3A_42, %add3A_74 : i32
        %dma_start3A_76 = arith.constant 0 : i32
        %dma_start3A_77 = tpu.memref_slice %arg6[%add3A_75, %dma_start3A_76] : memref<40x128xi32, #tpu.memory_space<vmem>> -> memref<1x128xi32, #tpu.memory_space<vmem>>
        %dma_start3A_78 = tpu.memref_squeeze %dma_start3A_77 : memref<1x128xi32, #tpu.memory_space<vmem>> -> memref<128xi32, #tpu.memory_space<vmem>>
        %dma_start3A_79 = arith.constant 0 : i32
        %dma_start3A_80 = arith.constant 0 : i32
        %dma_start3A_81 = tpu.memref_slice %arg2[%dma_start3A_79, %dma_start3A_80] : memref<10240x128xf32, #tpu.memory_space<hbm>> -> memref<10240x128xf32, #tpu.memory_space<hbm>>
        tpu.enqueue_indirect_dma source(%dma_start3A_81 : memref<10240x128xf32, #tpu.memory_space<hbm>>) target(%arg8 : memref<128x128xf32, #tpu.memory_space<vmem>>) offsets(%dma_start3A_78 : memref<128xi32, #tpu.memory_space<vmem>>) semaphore(%arg11 : memref<!tpu.dma_semaphore, #tpu.memory_space<semaphore_mem>>)
      } else {
      }
      %add3A_70 = arith.constant 0 : i32
      %add3A_71 = arith.addi %add3A_70, %add3A_42 : i32
      %add3A_72 = arith.constant 1 : i32
      %add3A_73 = arith.addi %add3A_71, %add3A_72 : i32
      "tpu.region"() ({
        %run_scoped3A = tpu.sem_alloc : memref<!tpu.dma_semaphore, #tpu.memory_space<semaphore_mem>>
        %dma_start3A_74 = arith.constant 0 : i32
        %dma_start3A_75 = tpu.memref_slice %arg7[%add3A_73, %dma_start3A_74] : memref<80x128xi32, #tpu.memory_space<vmem>> -> memref<1x128xi32, #tpu.memory_space<vmem>>
        %dma_start3A_76 = tpu.memref_squeeze %dma_start3A_75 : memref<1x128xi32, #tpu.memory_space<vmem>> -> memref<128xi32, #tpu.memory_space<vmem>>
        %dma_start3A_77 = arith.constant 0 : i32
        %dma_start3A_78 = arith.constant 0 : i32
        %dma_start3A_79 = tpu.memref_slice %arg10[%dma_start3A_77, %dma_start3A_78] : memref<10240x128xf32, #tpu.memory_space<vmem_shared>> -> memref<10240x128xf32, #tpu.memory_space<vmem_shared>>
        tpu.enqueue_indirect_dma source(%arg9 : memref<128x128xf32, #tpu.memory_space<vmem>>) target(%dma_start3A_79 : memref<10240x128xf32, #tpu.memory_space<vmem_shared>>) offsets(%dma_start3A_76 : memref<128xi32, #tpu.memory_space<vmem>>) semaphore(%run_scoped3A : memref<!tpu.dma_semaphore, #tpu.memory_space<semaphore_mem>>) {add = true}
        %dma_wait3A_80 = arith.constant 0 : i32
        %dma_wait3A_81 = tpu.memref_slice %arg7[%add3A_73, %dma_wait3A_80] : memref<80x128xi32, #tpu.memory_space<vmem>> -> memref<1x128xi32, #tpu.memory_space<vmem>>
        %dma_wait3A_82 = tpu.memref_squeeze %dma_wait3A_81 : memref<1x128xi32, #tpu.memory_space<vmem>> -> memref<128xi32, #tpu.memory_space<vmem>>
        %dma_wait3A_83 = arith.constant 0 : i32
        %dma_wait3A_84 = arith.constant 0 : i32
        %dma_wait3A_85 = tpu.memref_slice %arg10[%dma_wait3A_83, %dma_wait3A_84] : memref<10240x128xf32, #tpu.memory_space<vmem_shared>> -> memref<10240x128xf32, #tpu.memory_space<vmem_shared>>
        tpu.wait_indirect_dma semaphore(%run_scoped3A : memref<!tpu.dma_semaphore, #tpu.memory_space<semaphore_mem>>) src(%arg9 : memref<128x128xf32, #tpu.memory_space<vmem>>) dst(%dma_wait3A_85 : memref<10240x128xf32, #tpu.memory_space<vmem_shared>>)
        tpu.yield
      }) : () -> ()
    }
    %scan3A_20 = arith.constant 20 : i32
    "tpu.region"() ({
      %run_scoped3A = tpu.sem_alloc : memref<!tpu.dma_semaphore, #tpu.memory_space<semaphore_mem>>
      %dma_start3A_38 = arith.constant 40 : i32
      %dma_start3A_39 = arith.constant 0 : i32
      %dma_start3A_40 = tpu.memref_slice %arg3[%add3A, %dma_start3A_38, %dma_start3A_39] : memref<32x80x128xi32, #tpu.memory_space<hbm>> -> memref<1x40x128xi32, #tpu.memory_space<hbm>>
      %dma_start3A_41 = tpu.memref_squeeze %dma_start3A_40 : memref<1x40x128xi32, #tpu.memory_space<hbm>> -> memref<40x128xi32, #tpu.memory_space<hbm>>
      %dma_start3A_42 = arith.constant 40 : i32
      %dma_start3A_43 = arith.constant 0 : i32
      %dma_start3A_44 = tpu.memref_slice %arg3[%add3A, %dma_start3A_42, %dma_start3A_43] : memref<32x80x128xi32, #tpu.memory_space<hbm>> -> memref<1x40x128xi32, #tpu.memory_space<hbm>>
      %dma_start3A_45 = tpu.memref_squeeze %dma_start3A_44 : memref<1x40x128xi32, #tpu.memory_space<hbm>> -> memref<40x128xi32, #tpu.memory_space<hbm>>
      tpu.enqueue_dma source(%dma_start3A_45 : memref<40x128xi32, #tpu.memory_space<hbm>>) target(%arg6 : memref<40x128xi32, #tpu.memory_space<vmem>>) target_semaphore(%run_scoped3A : memref<!tpu.dma_semaphore, #tpu.memory_space<semaphore_mem>>)
      %dma_wait3A = arith.constant 40 : i32
      %dma_wait3A_46 = arith.constant 0 : i32
      %dma_wait3A_47 = tpu.memref_slice %arg3[%add3A, %dma_wait3A, %dma_wait3A_46] : memref<32x80x128xi32, #tpu.memory_space<hbm>> -> memref<1x40x128xi32, #tpu.memory_space<hbm>>
      %dma_wait3A_48 = tpu.memref_squeeze %dma_wait3A_47 : memref<1x40x128xi32, #tpu.memory_space<hbm>> -> memref<40x128xi32, #tpu.memory_space<hbm>>
      %dma_wait3A_49 = arith.constant 40 : i32
      %dma_wait3A_50 = arith.constant 0 : i32
      %dma_wait3A_51 = tpu.memref_slice %arg3[%add3A, %dma_wait3A_49, %dma_wait3A_50] : memref<32x80x128xi32, #tpu.memory_space<hbm>> -> memref<1x40x128xi32, #tpu.memory_space<hbm>>
      %dma_wait3A_52 = tpu.memref_squeeze %dma_wait3A_51 : memref<1x40x128xi32, #tpu.memory_space<hbm>> -> memref<40x128xi32, #tpu.memory_space<hbm>>
      tpu.wait_dma2 semaphore(%run_scoped3A : memref<!tpu.dma_semaphore, #tpu.memory_space<semaphore_mem>>) src(%dma_wait3A_52 : memref<40x128xi32, #tpu.memory_space<hbm>>) dst(%arg6 : memref<40x128xi32, #tpu.memory_space<vmem>>)
      tpu.yield
    }) : () -> ()
    %dma_start3A_21 = arith.constant 0 : i32
    %dma_start3A_22 = arith.constant 0 : i32
    %dma_start3A_23 = tpu.memref_slice %arg6[%dma_start3A_21, %dma_start3A_22] : memref<40x128xi32, #tpu.memory_space<vmem>> -> memref<1x128xi32, #tpu.memory_space<vmem>>
    %dma_start3A_24 = tpu.memref_squeeze %dma_start3A_23 : memref<1x128xi32, #tpu.memory_space<vmem>> -> memref<128xi32, #tpu.memory_space<vmem>>
    %dma_start3A_25 = arith.constant 0 : i32
    %dma_start3A_26 = arith.constant 0 : i32
    %dma_start3A_27 = tpu.memref_slice %arg2[%dma_start3A_25, %dma_start3A_26] : memref<10240x128xf32, #tpu.memory_space<hbm>> -> memref<10240x128xf32, #tpu.memory_space<hbm>>
    tpu.enqueue_indirect_dma source(%dma_start3A_27 : memref<10240x128xf32, #tpu.memory_space<hbm>>) target(%arg8 : memref<128x128xf32, #tpu.memory_space<vmem>>) offsets(%dma_start3A_24 : memref<128xi32, #tpu.memory_space<vmem>>) semaphore(%arg11 : memref<!tpu.dma_semaphore, #tpu.memory_space<semaphore_mem>>)
    %scan3A_28 = arith.constant 0 : i32
    %scan3A_29 = arith.constant 20 : i32
    %scan3A_30 = arith.addi %scan3A_28, %scan3A_29 : i32
    %scan3A_31 = arith.constant 1 : i32
    scf.for %scan3A_38 = %scan3A_28 to %scan3A_30 step %scan3A_31  : i32 {
      %mul3A_39 = arith.constant 2 : i32
      %mul3A_40 = arith.muli %scan3A_38, %mul3A_39 : i32
      %add3A_41 = arith.constant 0 : i32
      %add3A_42 = arith.addi %add3A_41, %mul3A_40 : i32
      %dma_wait3A = arith.constant 0 : i32
      %dma_wait3A_43 = tpu.memref_slice %arg6[%add3A_42, %dma_wait3A] : memref<40x128xi32, #tpu.memory_space<vmem>> -> memref<1x128xi32, #tpu.memory_space<vmem>>
      %dma_wait3A_44 = tpu.memref_squeeze %dma_wait3A_43 : memref<1x128xi32, #tpu.memory_space<vmem>> -> memref<128xi32, #tpu.memory_space<vmem>>
      %dma_wait3A_45 = arith.constant 0 : i32
      %dma_wait3A_46 = arith.constant 0 : i32
      %dma_wait3A_47 = tpu.memref_slice %arg2[%dma_wait3A_45, %dma_wait3A_46] : memref<10240x128xf32, #tpu.memory_space<hbm>> -> memref<10240x128xf32, #tpu.memory_space<hbm>>
      tpu.wait_indirect_dma semaphore(%arg11 : memref<!tpu.dma_semaphore, #tpu.memory_space<semaphore_mem>>) src(%dma_wait3A_47 : memref<10240x128xf32, #tpu.memory_space<hbm>>) dst(%arg8 : memref<128x128xf32, #tpu.memory_space<vmem>>)
      %add3A_48 = arith.constant 1 : i32
      %add3A_49 = arith.addi %add3A_42, %add3A_48 : i32
      %dma_start3A_50 = arith.constant 0 : i32
      %dma_start3A_51 = tpu.memref_slice %arg6[%add3A_49, %dma_start3A_50] : memref<40x128xi32, #tpu.memory_space<vmem>> -> memref<1x128xi32, #tpu.memory_space<vmem>>
      %dma_start3A_52 = tpu.memref_squeeze %dma_start3A_51 : memref<1x128xi32, #tpu.memory_space<vmem>> -> memref<128xi32, #tpu.memory_space<vmem>>
      %dma_start3A_53 = arith.constant 0 : i32
      %dma_start3A_54 = arith.constant 0 : i32
      %dma_start3A_55 = tpu.memref_slice %arg2[%dma_start3A_53, %dma_start3A_54] : memref<10240x128xf32, #tpu.memory_space<hbm>> -> memref<10240x128xf32, #tpu.memory_space<hbm>>
      tpu.enqueue_indirect_dma source(%dma_start3A_55 : memref<10240x128xf32, #tpu.memory_space<hbm>>) target(%arg9 : memref<128x128xf32, #tpu.memory_space<vmem>>) offsets(%dma_start3A_52 : memref<128xi32, #tpu.memory_space<vmem>>) semaphore(%arg12 : memref<!tpu.dma_semaphore, #tpu.memory_space<semaphore_mem>>)
      %add3A_56 = arith.constant 40 : i32
      %add3A_57 = arith.addi %add3A_56, %add3A_42 : i32
      "tpu.region"() ({
        %run_scoped3A = tpu.sem_alloc : memref<!tpu.dma_semaphore, #tpu.memory_space<semaphore_mem>>
        %dma_start3A_74 = arith.constant 0 : i32
        %dma_start3A_75 = tpu.memref_slice %arg7[%add3A_57, %dma_start3A_74] : memref<80x128xi32, #tpu.memory_space<vmem>> -> memref<1x128xi32, #tpu.memory_space<vmem>>
        %dma_start3A_76 = tpu.memref_squeeze %dma_start3A_75 : memref<1x128xi32, #tpu.memory_space<vmem>> -> memref<128xi32, #tpu.memory_space<vmem>>
        %dma_start3A_77 = arith.constant 0 : i32
        %dma_start3A_78 = arith.constant 0 : i32
        %dma_start3A_79 = tpu.memref_slice %arg10[%dma_start3A_77, %dma_start3A_78] : memref<10240x128xf32, #tpu.memory_space<vmem_shared>> -> memref<10240x128xf32, #tpu.memory_space<vmem_shared>>
        tpu.enqueue_indirect_dma source(%arg8 : memref<128x128xf32, #tpu.memory_space<vmem>>) target(%dma_start3A_79 : memref<10240x128xf32, #tpu.memory_space<vmem_shared>>) offsets(%dma_start3A_76 : memref<128xi32, #tpu.memory_space<vmem>>) semaphore(%run_scoped3A : memref<!tpu.dma_semaphore, #tpu.memory_space<semaphore_mem>>) {add = true}
        %dma_wait3A_80 = arith.constant 0 : i32
        %dma_wait3A_81 = tpu.memref_slice %arg7[%add3A_57, %dma_wait3A_80] : memref<80x128xi32, #tpu.memory_space<vmem>> -> memref<1x128xi32, #tpu.memory_space<vmem>>
        %dma_wait3A_82 = tpu.memref_squeeze %dma_wait3A_81 : memref<1x128xi32, #tpu.memory_space<vmem>> -> memref<128xi32, #tpu.memory_space<vmem>>
        %dma_wait3A_83 = arith.constant 0 : i32
        %dma_wait3A_84 = arith.constant 0 : i32
        %dma_wait3A_85 = tpu.memref_slice %arg10[%dma_wait3A_83, %dma_wait3A_84] : memref<10240x128xf32, #tpu.memory_space<vmem_shared>> -> memref<10240x128xf32, #tpu.memory_space<vmem_shared>>
        tpu.wait_indirect_dma semaphore(%run_scoped3A : memref<!tpu.dma_semaphore, #tpu.memory_space<semaphore_mem>>) src(%arg8 : memref<128x128xf32, #tpu.memory_space<vmem>>) dst(%dma_wait3A_85 : memref<10240x128xf32, #tpu.memory_space<vmem_shared>>)
        tpu.yield
      }) : () -> ()
      %add3A_58 = arith.constant 1 : i32
      %add3A_59 = arith.addi %add3A_42, %add3A_58 : i32
      %dma_wait3A_60 = arith.constant 0 : i32
      %dma_wait3A_61 = tpu.memref_slice %arg6[%add3A_59, %dma_wait3A_60] : memref<40x128xi32, #tpu.memory_space<vmem>> -> memref<1x128xi32, #tpu.memory_space<vmem>>
      %dma_wait3A_62 = tpu.memref_squeeze %dma_wait3A_61 : memref<1x128xi32, #tpu.memory_space<vmem>> -> memref<128xi32, #tpu.memory_space<vmem>>
      %dma_wait3A_63 = arith.constant 0 : i32
      %dma_wait3A_64 = arith.constant 0 : i32
      %dma_wait3A_65 = tpu.memref_slice %arg2[%dma_wait3A_63, %dma_wait3A_64] : memref<10240x128xf32, #tpu.memory_space<hbm>> -> memref<10240x128xf32, #tpu.memory_space<hbm>>
      tpu.wait_indirect_dma semaphore(%arg12 : memref<!tpu.dma_semaphore, #tpu.memory_space<semaphore_mem>>) src(%dma_wait3A_65 : memref<10240x128xf32, #tpu.memory_space<hbm>>) dst(%arg9 : memref<128x128xf32, #tpu.memory_space<vmem>>)
      %add3A_66 = arith.constant 2 : i32
      %add3A_67 = arith.addi %add3A_42, %add3A_66 : i32
      %lt3A = arith.constant 40 : i32
      %lt3A_68 = arith.cmpi slt, %add3A_67, %lt3A : i32
      %convert_element_type3A = arith.extui %lt3A_68 : i1 to i32
      %cond3A = arith.constant 0 : i32
      %cond3A_69 = arith.cmpi ne, %convert_element_type3A, %cond3A : i32
      scf.if %cond3A_69 {
        %add3A_74 = arith.constant 2 : i32
        %add3A_75 = arith.addi %add3A_42, %add3A_74 : i32
        %dma_start3A_76 = arith.constant 0 : i32
        %dma_start3A_77 = tpu.memref_slice %arg6[%add3A_75, %dma_start3A_76] : memref<40x128xi32, #tpu.memory_space<vmem>> -> memref<1x128xi32, #tpu.memory_space<vmem>>
        %dma_start3A_78 = tpu.memref_squeeze %dma_start3A_77 : memref<1x128xi32, #tpu.memory_space<vmem>> -> memref<128xi32, #tpu.memory_space<vmem>>
        %dma_start3A_79 = arith.constant 0 : i32
        %dma_start3A_80 = arith.constant 0 : i32
        %dma_start3A_81 = tpu.memref_slice %arg2[%dma_start3A_79, %dma_start3A_80] : memref<10240x128xf32, #tpu.memory_space<hbm>> -> memref<10240x128xf32, #tpu.memory_space<hbm>>
        tpu.enqueue_indirect_dma source(%dma_start3A_81 : memref<10240x128xf32, #tpu.memory_space<hbm>>) target(%arg8 : memref<128x128xf32, #tpu.memory_space<vmem>>) offsets(%dma_start3A_78 : memref<128xi32, #tpu.memory_space<vmem>>) semaphore(%arg11 : memref<!tpu.dma_semaphore, #tpu.memory_space<semaphore_mem>>)
      } else {
      }
      %add3A_70 = arith.constant 40 : i32
      %add3A_71 = arith.addi %add3A_70, %add3A_42 : i32
      %add3A_72 = arith.constant 1 : i32
      %add3A_73 = arith.addi %add3A_71, %add3A_72 : i32
      "tpu.region"() ({
        %run_scoped3A = tpu.sem_alloc : memref<!tpu.dma_semaphore, #tpu.memory_space<semaphore_mem>>
        %dma_start3A_74 = arith.constant 0 : i32
        %dma_start3A_75 = tpu.memref_slice %arg7[%add3A_73, %dma_start3A_74] : memref<80x128xi32, #tpu.memory_space<vmem>> -> memref<1x128xi32, #tpu.memory_space<vmem>>
        %dma_start3A_76 = tpu.memref_squeeze %dma_start3A_75 : memref<1x128xi32, #tpu.memory_space<vmem>> -> memref<128xi32, #tpu.memory_space<vmem>>
        %dma_start3A_77 = arith.constant 0 : i32
        %dma_start3A_78 = arith.constant 0 : i32
        %dma_start3A_79 = tpu.memref_slice %arg10[%dma_start3A_77, %dma_start3A_78] : memref<10240x128xf32, #tpu.memory_space<vmem_shared>> -> memref<10240x128xf32, #tpu.memory_space<vmem_shared>>
        tpu.enqueue_indirect_dma source(%arg9 : memref<128x128xf32, #tpu.memory_space<vmem>>) target(%dma_start3A_79 : memref<10240x128xf32, #tpu.memory_space<vmem_shared>>) offsets(%dma_start3A_76 : memref<128xi32, #tpu.memory_space<vmem>>) semaphore(%run_scoped3A : memref<!tpu.dma_semaphore, #tpu.memory_space<semaphore_mem>>) {add = true}
        %dma_wait3A_80 = arith.constant 0 : i32
        %dma_wait3A_81 = tpu.memref_slice %arg7[%add3A_73, %dma_wait3A_80] : memref<80x128xi32, #tpu.memory_space<vmem>> -> memref<1x128xi32, #tpu.memory_space<vmem>>
        %dma_wait3A_82 = tpu.memref_squeeze %dma_wait3A_81 : memref<1x128xi32, #tpu.memory_space<vmem>> -> memref<128xi32, #tpu.memory_space<vmem>>
        %dma_wait3A_83 = arith.constant 0 : i32
        %dma_wait3A_84 = arith.constant 0 : i32
        %dma_wait3A_85 = tpu.memref_slice %arg10[%dma_wait3A_83, %dma_wait3A_84] : memref<10240x128xf32, #tpu.memory_space<vmem_shared>> -> memref<10240x128xf32, #tpu.memory_space<vmem_shared>>
        tpu.wait_indirect_dma semaphore(%run_scoped3A : memref<!tpu.dma_semaphore, #tpu.memory_space<semaphore_mem>>) src(%arg9 : memref<128x128xf32, #tpu.memory_space<vmem>>) dst(%dma_wait3A_85 : memref<10240x128xf32, #tpu.memory_space<vmem_shared>>)
        tpu.yield
      }) : () -> ()
    }
    %scan3A_32 = arith.constant 20 : i32
    %barrier3A_33 = arith.constant 0 : index
    tpu.barrier barrier_id(%barrier3A_33)
    %mul3A_34 = arith.constant 640 : i32
    %mul3A_35 = arith.muli %arg1, %mul3A_34 : i32
    %mul3A_36 = arith.constant 640 : i32
    %mul3A_37 = arith.muli %arg1, %mul3A_36 : i32
    "tpu.region"() ({
      %run_scoped3A = tpu.sem_alloc : memref<!tpu.dma_semaphore, #tpu.memory_space<semaphore_mem>>
      %dma_start3A_38 = arith.constant 0 : i32
      %dma_start3A_39 = tpu.memref_slice %arg5[%arg0, %mul3A_37, %dma_start3A_38] : memref<2x10240x128xf32, #tpu.memory_space<hbm>> -> memref<1x640x128xf32, #tpu.memory_space<hbm>>
      %dma_start3A_40 = tpu.memref_squeeze %dma_start3A_39 : memref<1x640x128xf32, #tpu.memory_space<hbm>> -> memref<640x128xf32, #tpu.memory_space<hbm>>
      %dma_start3A_41 = arith.constant 0 : i32
      %dma_start3A_42 = tpu.memref_slice %arg10[%mul3A_35, %dma_start3A_41] : memref<10240x128xf32, #tpu.memory_space<vmem_shared>> -> memref<640x128xf32, #tpu.memory_space<vmem_shared>>
      tpu.enqueue_dma source(%dma_start3A_42 : memref<640x128xf32, #tpu.memory_space<vmem_shared>>) target(%dma_start3A_40 : memref<640x128xf32, #tpu.memory_space<hbm>>) target_semaphore(%run_scoped3A : memref<!tpu.dma_semaphore, #tpu.memory_space<semaphore_mem>>)
      %dma_wait3A = arith.constant 0 : i32
      %dma_wait3A_43 = tpu.memref_slice %arg5[%arg0, %mul3A_37, %dma_wait3A] : memref<2x10240x128xf32, #tpu.memory_space<hbm>> -> memref<1x640x128xf32, #tpu.memory_space<hbm>>
      %dma_wait3A_44 = tpu.memref_squeeze %dma_wait3A_43 : memref<1x640x128xf32, #tpu.memory_space<hbm>> -> memref<640x128xf32, #tpu.memory_space<hbm>>
      %dma_wait3A_45 = arith.constant 0 : i32
      %dma_wait3A_46 = tpu.memref_slice %arg10[%mul3A_35, %dma_wait3A_45] : memref<10240x128xf32, #tpu.memory_space<vmem_shared>> -> memref<640x128xf32, #tpu.memory_space<vmem_shared>>
      tpu.wait_dma2 semaphore(%run_scoped3A : memref<!tpu.dma_semaphore, #tpu.memory_space<semaphore_mem>>) src(%dma_wait3A_46 : memref<640x128xf32, #tpu.memory_space<vmem_shared>>) dst(%dma_wait3A_44 : memref<640x128xf32, #tpu.memory_space<hbm>>)
      tpu.yield
    }) : () -> ()
    return
  }
}

module attributes {stable_mosaic.version = 14 : i64} {
  func.func @_tc_h1_body(%arg0: i32, %arg1: memref<1024x256xf32, #tpu.memory_space<vmem>>, %arg2: memref<256x128xf32, #tpu.memory_space<vmem>>, %arg3: memref<2x1024x128xf32, #tpu.memory_space<vmem>>, %arg4: memref<1024x128xf32, #tpu.memory_space<vmem>>) attributes {dimension_semantics = [#tpu.dimension_semantics<arbitrary>], iteration_bounds = array<i64: 10>, scalar_prefetch = 0 : i64, scratch_operands = 0 : i64, tpu.core_type = #tpu.core_type<tc>, window_params = [{transform_indices = @transform_0, window_bounds = array<i64: 1024, 256>}, {pipeline_mode = #tpu.pipeline_mode<synchronous>, transform_indices = @transform_1, window_bounds = array<i64: 256, 128>}, {transform_indices = @transform_2, window_bounds = array<i64: 2, 1024, 128>}, {transform_indices = @transform_3, window_bounds = array<i64: 1024, 128>}]} {
    %get3A = arith.constant 0 : index
    %get3A_0 = arith.constant 0 : index
    %get3A_1 = vector.load %arg1[%get3A, %get3A_0] : memref<1024x256xf32, #tpu.memory_space<vmem>>, vector<1024x256xf32>
    %get3A_2 = arith.constant 0 : index
    %get3A_3 = arith.constant 0 : index
    %get3A_4 = vector.load %arg2[%get3A_2, %get3A_3] : memref<256x128xf32, #tpu.memory_space<vmem>>, vector<256x128xf32>
    %dot_general3A = arith.constant dense<0.000000e+00> : vector<1024x128xf32>
    %dot_general3A_5 = tpu.matmul %get3A_1, %get3A_4, %dot_general3A {dimension_numbers = #tpu.dot_dimension_numbers<[1], [0], [0], [1], [0, 0, 1, 1], [], []>, precision = #tpu.contract_precision<fp32>, transpose_lhs_hint = false} : vector<1024x256xf32>, vector<256x128xf32>, vector<1024x128xf32> -> vector<1024x128xf32>
    %get3A_6 = arith.constant 0 : index
    %get3A_7 = arith.constant 0 : index
    %get3A_8 = arith.constant 0 : index
    %get3A_9 = vector.load %arg3[%get3A_6, %get3A_7, %get3A_8] : memref<2x1024x128xf32, #tpu.memory_space<vmem>>, vector<1x1024x1xf32>
    %get3A_10 = vector.shape_cast %get3A_9 : vector<1x1024x1xf32> to vector<1024xf32>
    %get3A_11 = arith.constant 1 : index
    %get3A_12 = arith.constant 0 : index
    %get3A_13 = arith.constant 0 : index
    %get3A_14 = vector.load %arg3[%get3A_11, %get3A_12, %get3A_13] : memref<2x1024x128xf32, #tpu.memory_space<vmem>>, vector<1x1024x1xf32>
    %get3A_15 = vector.shape_cast %get3A_14 : vector<1x1024x1xf32> to vector<1024xf32>
    %add3A = arith.addf %get3A_10, %get3A_15 : vector<1024xf32>
    %add3A_16 = arith.constant 1.000000e+00 : f32
    %add3A_17 = vector.broadcast %add3A_16 : f32 to vector<1024xf32>
    %add3A_18 = arith.addf %add3A, %add3A_17 : vector<1024xf32>
    %rsqrt3A = math.rsqrt %add3A_18 : vector<1024xf32>
    %broadcast_in_dim3A = vector.shape_cast %rsqrt3A : vector<1024xf32> to vector<1024x1xf32>
    %mul3A = vector.broadcast %broadcast_in_dim3A : vector<1024x1xf32> to vector<1024x128xf32>
    %mul3A_19 = arith.mulf %dot_general3A_5, %mul3A : vector<1024x128xf32>
    %swap3A = arith.constant 0 : index
    %swap3A_20 = arith.constant 0 : index
    %swap3A_21 = vector.load %arg4[%swap3A, %swap3A_20] : memref<1024x128xf32, #tpu.memory_space<vmem>>, vector<1024x128xf32>
    tpu.vector_store %arg4[%swap3A, %swap3A_20], %mul3A_19 {strides = array<i32>} : memref<1024x128xf32, #tpu.memory_space<vmem>>, vector<1024x128xf32>,
    return
  }
  func.func @transform_0(%arg0: i32) -> (i32, i32) {
    %c0_i32 = arith.constant 0 : i32
    %c0_i32_0 = arith.constant 0 : i32
    return %arg0, %c0_i32 : i32, i32
  }
  func.func @transform_1(%arg0: i32) -> (i32, i32) {
    %c0_i32 = arith.constant 0 : i32
    %c0_i32_0 = arith.constant 0 : i32
    %c0_i32_1 = arith.constant 0 : i32
    return %c0_i32, %c0_i32_0 : i32, i32
  }
  func.func @transform_2(%arg0: i32) -> (i32, i32, i32) {
    %c0_i32 = arith.constant 0 : i32
    %c0_i32_0 = arith.constant 0 : i32
    %c0_i32_1 = arith.constant 0 : i32
    return %c0_i32, %arg0, %c0_i32_0 : i32, i32, i32
  }
  func.func @transform_3(%arg0: i32) -> (i32, i32) {
    %c0_i32 = arith.constant 0 : i32
    %c0_i32_0 = arith.constant 0 : i32
    return %arg0, %c0_i32 : i32, i32
  }
}

module attributes {stable_mosaic.version = 14 : i64} {
  func.func @_tc_h2_body(%arg0: i32, %arg1: memref<2x1024x128xf32, #tpu.memory_space<vmem>>, %arg2: memref<1024x128xf32, #tpu.memory_space<vmem>>, %arg3: memref<2x1024x128xf32, #tpu.memory_space<vmem>>, %arg4: memref<1x128xf32, #tpu.memory_space<vmem>>, %arg5: memref<128x128xf32, #tpu.memory_space<vmem>>, %arg6: memref<1024x128xf32, #tpu.memory_space<vmem>>) attributes {dimension_semantics = [#tpu.dimension_semantics<arbitrary>], iteration_bounds = array<i64: 10>, scalar_prefetch = 0 : i64, scratch_operands = 0 : i64, tpu.core_type = #tpu.core_type<tc>, window_params = [{transform_indices = @transform_0, window_bounds = array<i64: 2, 1024, 128>}, {transform_indices = @transform_1, window_bounds = array<i64: 1024, 128>}, {transform_indices = @transform_2, window_bounds = array<i64: 2, 1024, 128>}, {pipeline_mode = #tpu.pipeline_mode<synchronous>, transform_indices = @transform_3, window_bounds = array<i64: 1, 128>}, {pipeline_mode = #tpu.pipeline_mode<synchronous>, transform_indices = @transform_4, window_bounds = array<i64: 128, 128>}, {transform_indices = @transform_5, window_bounds = array<i64: 1024, 128>}]} {
    %get3A = arith.constant 0 : index
    %get3A_0 = arith.constant 0 : index
    %get3A_1 = arith.constant 0 : index
    %get3A_2 = vector.load %arg3[%get3A, %get3A_0, %get3A_1] : memref<2x1024x128xf32, #tpu.memory_space<vmem>>, vector<1x1024x1xf32>
    %get3A_3 = vector.shape_cast %get3A_2 : vector<1x1024x1xf32> to vector<1024xf32>
    %get3A_4 = arith.constant 1 : index
    %get3A_5 = arith.constant 0 : index
    %get3A_6 = arith.constant 0 : index
    %get3A_7 = vector.load %arg3[%get3A_4, %get3A_5, %get3A_6] : memref<2x1024x128xf32, #tpu.memory_space<vmem>>, vector<1x1024x1xf32>
    %get3A_8 = vector.shape_cast %get3A_7 : vector<1x1024x1xf32> to vector<1024xf32>
    %add3A = arith.addf %get3A_3, %get3A_8 : vector<1024xf32>
    %add3A_9 = arith.constant 1.000000e+00 : f32
    %add3A_10 = vector.broadcast %add3A_9 : f32 to vector<1024xf32>
    %add3A_11 = arith.addf %add3A, %add3A_10 : vector<1024xf32>
    %rsqrt3A = math.rsqrt %add3A_11 : vector<1024xf32>
    %broadcast_in_dim3A = vector.shape_cast %rsqrt3A : vector<1024xf32> to vector<1024x1xf32>
    %get3A_12 = arith.constant 0 : index
    %get3A_13 = arith.constant 0 : index
    %get3A_14 = arith.constant 0 : index
    %get3A_15 = vector.load %arg1[%get3A_12, %get3A_13, %get3A_14] : memref<2x1024x128xf32, #tpu.memory_space<vmem>>, vector<1x1024x128xf32>
    %get3A_16 = vector.shape_cast %get3A_15 : vector<1x1024x128xf32> to vector<1024x128xf32>
    %get3A_17 = arith.constant 1 : index
    %get3A_18 = arith.constant 0 : index
    %get3A_19 = arith.constant 0 : index
    %get3A_20 = vector.load %arg1[%get3A_17, %get3A_18, %get3A_19] : memref<2x1024x128xf32, #tpu.memory_space<vmem>>, vector<1x1024x128xf32>
    %get3A_21 = vector.shape_cast %get3A_20 : vector<1x1024x128xf32> to vector<1024x128xf32>
    %add3A_22 = arith.addf %get3A_16, %get3A_21 : vector<1024x128xf32>
    %get3A_23 = arith.constant 0 : index
    %get3A_24 = arith.constant 0 : index
    %get3A_25 = vector.load %arg2[%get3A_23, %get3A_24] : memref<1024x128xf32, #tpu.memory_space<vmem>>, vector<1024x128xf32>
    %add3A_26 = arith.addf %add3A_22, %get3A_25 : vector<1024x128xf32>
    %mul3A = vector.broadcast %broadcast_in_dim3A : vector<1024x1xf32> to vector<1024x128xf32>
    %mul3A_27 = arith.mulf %mul3A, %add3A_26 : vector<1024x128xf32>
    %get3A_28 = arith.constant 0 : index
    %get3A_29 = arith.constant 0 : index
    %get3A_30 = vector.load %arg4[%get3A_28, %get3A_29] : memref<1x128xf32, #tpu.memory_space<vmem>>, vector<1x128xf32>
    %add3A_31 = vector.broadcast %get3A_30 : vector<1x128xf32> to vector<1024x128xf32>
    %add3A_32 = arith.addf %mul3A_27, %add3A_31 : vector<1024x128xf32>
    %max3A = arith.constant 0.000000e+00 : f32
    %max3A_33 = vector.broadcast %max3A : f32 to vector<1024x128xf32>
    %max3A_34 = arith.maximumf %add3A_32, %max3A_33 : vector<1024x128xf32>
    %get3A_35 = arith.constant 0 : index
    %get3A_36 = arith.constant 0 : index
    %get3A_37 = vector.load %arg5[%get3A_35, %get3A_36] : memref<128x128xf32, #tpu.memory_space<vmem>>, vector<128x128xf32>
    %dot_general3A = arith.constant dense<0.000000e+00> : vector<1024x128xf32>
    %dot_general3A_38 = tpu.matmul %max3A_34, %get3A_37, %dot_general3A {dimension_numbers = #tpu.dot_dimension_numbers<[1], [0], [0], [1], [0, 0, 1, 1], [], []>, precision = #tpu.contract_precision<fp32>, transpose_lhs_hint = false} : vector<1024x128xf32>, vector<128x128xf32>, vector<1024x128xf32> -> vector<1024x128xf32>
    %mul3A_39 = vector.broadcast %broadcast_in_dim3A : vector<1024x1xf32> to vector<1024x128xf32>
    %mul3A_40 = arith.mulf %dot_general3A_38, %mul3A_39 : vector<1024x128xf32>
    %swap3A = arith.constant 0 : index
    %swap3A_41 = arith.constant 0 : index
    %swap3A_42 = vector.load %arg6[%swap3A, %swap3A_41] : memref<1024x128xf32, #tpu.memory_space<vmem>>, vector<1024x128xf32>
    tpu.vector_store %arg6[%swap3A, %swap3A_41], %mul3A_40 {strides = array<i32>} : memref<1024x128xf32, #tpu.memory_space<vmem>>, vector<1024x128xf32>,
    return
  }
  func.func @transform_0(%arg0: i32) -> (i32, i32, i32) {
    %c0_i32 = arith.constant 0 : i32
    %c0_i32_0 = arith.constant 0 : i32
    %c0_i32_1 = arith.constant 0 : i32
    return %c0_i32, %arg0, %c0_i32_0 : i32, i32, i32
  }
  func.func @transform_1(%arg0: i32) -> (i32, i32) {
    %c0_i32 = arith.constant 0 : i32
    %c0_i32_0 = arith.constant 0 : i32
    return %arg0, %c0_i32 : i32, i32
  }
  func.func @transform_2(%arg0: i32) -> (i32, i32, i32) {
    %c0_i32 = arith.constant 0 : i32
    %c0_i32_0 = arith.constant 0 : i32
    %c0_i32_1 = arith.constant 0 : i32
    return %c0_i32, %arg0, %c0_i32_0 : i32, i32, i32
  }
  func.func @transform_3(%arg0: i32) -> (i32, i32) {
    %c0_i32 = arith.constant 0 : i32
    %c0_i32_0 = arith.constant 0 : i32
    %c0_i32_1 = arith.constant 0 : i32
    return %c0_i32, %c0_i32_0 : i32, i32
  }
  func.func @transform_4(%arg0: i32) -> (i32, i32) {
    %c0_i32 = arith.constant 0 : i32
    %c0_i32_0 = arith.constant 0 : i32
    %c0_i32_1 = arith.constant 0 : i32
    return %c0_i32, %c0_i32_0 : i32, i32
  }
  func.func @transform_5(%arg0: i32) -> (i32, i32) {
    %c0_i32 = arith.constant 0 : i32
    %c0_i32_0 = arith.constant 0 : i32
    return %arg0, %c0_i32 : i32, i32
  }
}

module attributes {stable_mosaic.version = 14 : i64} {
  func.func @_tc_epi_body(%arg0: i32, %arg1: memref<2x1024x128xf32, #tpu.memory_space<vmem>>, %arg2: memref<1024x128xf32, #tpu.memory_space<vmem>>, %arg3: memref<2x1024x128xf32, #tpu.memory_space<vmem>>, %arg4: memref<1x64xf32, #tpu.memory_space<vmem>>, %arg5: memref<1x64xf32, #tpu.memory_space<vmem>>, %arg6: memref<1024x64xf32, #tpu.memory_space<vmem>>, %arg7: memref<1024x64xf32, #tpu.memory_space<vmem>>, %arg8: memref<1024x64xf32, #tpu.memory_space<vmem>>, %arg9: memref<1024x64xf32, #tpu.memory_space<vmem>>) attributes {dimension_semantics = [#tpu.dimension_semantics<arbitrary>], iteration_bounds = array<i64: 10>, scalar_prefetch = 0 : i64, scratch_operands = 0 : i64, tpu.core_type = #tpu.core_type<tc>, window_params = [{transform_indices = @transform_0, window_bounds = array<i64: 2, 1024, 128>}, {transform_indices = @transform_1, window_bounds = array<i64: 1024, 128>}, {transform_indices = @transform_2, window_bounds = array<i64: 2, 1024, 128>}, {pipeline_mode = #tpu.pipeline_mode<synchronous>, transform_indices = @transform_3, window_bounds = array<i64: 1, 64>}, {pipeline_mode = #tpu.pipeline_mode<synchronous>, transform_indices = @transform_4, window_bounds = array<i64: 1, 64>}, {transform_indices = @transform_5, window_bounds = array<i64: 1024, 64>}, {transform_indices = @transform_6, window_bounds = array<i64: 1024, 64>}, {transform_indices = @transform_7, window_bounds = array<i64: 1024, 64>}, {transform_indices = @transform_8, window_bounds = array<i64: 1024, 64>}]} {
    %get3A = arith.constant 0 : index
    %get3A_0 = arith.constant 0 : index
    %get3A_1 = arith.constant 0 : index
    %get3A_2 = vector.load %arg3[%get3A, %get3A_0, %get3A_1] : memref<2x1024x128xf32, #tpu.memory_space<vmem>>, vector<1x1024x1xf32>
    %get3A_3 = vector.shape_cast %get3A_2 : vector<1x1024x1xf32> to vector<1024xf32>
    %get3A_4 = arith.constant 1 : index
    %get3A_5 = arith.constant 0 : index
    %get3A_6 = arith.constant 0 : index
    %get3A_7 = vector.load %arg3[%get3A_4, %get3A_5, %get3A_6] : memref<2x1024x128xf32, #tpu.memory_space<vmem>>, vector<1x1024x1xf32>
    %get3A_8 = vector.shape_cast %get3A_7 : vector<1x1024x1xf32> to vector<1024xf32>
    %add3A = arith.addf %get3A_3, %get3A_8 : vector<1024xf32>
    %add3A_9 = arith.constant 1.000000e+00 : f32
    %add3A_10 = vector.broadcast %add3A_9 : f32 to vector<1024xf32>
    %add3A_11 = arith.addf %add3A, %add3A_10 : vector<1024xf32>
    %rsqrt3A = math.rsqrt %add3A_11 : vector<1024xf32>
    %broadcast_in_dim3A = vector.shape_cast %rsqrt3A : vector<1024xf32> to vector<1024x1xf32>
    %get3A_12 = arith.constant 0 : index
    %get3A_13 = arith.constant 0 : index
    %get3A_14 = arith.constant 0 : index
    %get3A_15 = vector.load %arg1[%get3A_12, %get3A_13, %get3A_14] : memref<2x1024x128xf32, #tpu.memory_space<vmem>>, vector<1x1024x128xf32>
    %get3A_16 = vector.shape_cast %get3A_15 : vector<1x1024x128xf32> to vector<1024x128xf32>
    %get3A_17 = arith.constant 1 : index
    %get3A_18 = arith.constant 0 : index
    %get3A_19 = arith.constant 0 : index
    %get3A_20 = vector.load %arg1[%get3A_17, %get3A_18, %get3A_19] : memref<2x1024x128xf32, #tpu.memory_space<vmem>>, vector<1x1024x128xf32>
    %get3A_21 = vector.shape_cast %get3A_20 : vector<1x1024x128xf32> to vector<1024x128xf32>
    %add3A_22 = arith.addf %get3A_16, %get3A_21 : vector<1024x128xf32>
    %get3A_23 = arith.constant 0 : index
    %get3A_24 = arith.constant 0 : index
    %get3A_25 = vector.load %arg2[%get3A_23, %get3A_24] : memref<1024x128xf32, #tpu.memory_space<vmem>>, vector<1024x128xf32>
    %add3A_26 = arith.addf %add3A_22, %get3A_25 : vector<1024x128xf32>
    %mul3A = vector.broadcast %broadcast_in_dim3A : vector<1024x1xf32> to vector<1024x128xf32>
    %mul3A_27 = arith.mulf %mul3A, %add3A_26 : vector<1024x128xf32>
    %slice3A = vector.extract_strided_slice %mul3A_27 {offsets = [0, 0], sizes = [1024, 64], strides = [1, 1]} : vector<1024x128xf32> to vector<1024x64xf32>
    %get3A_28 = arith.constant 0 : index
    %get3A_29 = arith.constant 0 : index
    %get3A_30 = vector.load %arg4[%get3A_28, %get3A_29] : memref<1x64xf32, #tpu.memory_space<vmem>>, vector<1x64xf32>
    %add3A_31 = vector.broadcast %get3A_30 : vector<1x64xf32> to vector<1024x64xf32>
    %add3A_32 = arith.addf %slice3A, %add3A_31 : vector<1024x64xf32>
    %slice3A_33 = vector.extract_strided_slice %mul3A_27 {offsets = [0, 64], sizes = [1024, 64], strides = [1, 1]} : vector<1024x128xf32> to vector<1024x64xf32>
    %get3A_34 = arith.constant 0 : index
    %get3A_35 = arith.constant 0 : index
    %get3A_36 = vector.load %arg5[%get3A_34, %get3A_35] : memref<1x64xf32, #tpu.memory_space<vmem>>, vector<1x64xf32>
    %add3A_37 = vector.broadcast %get3A_36 : vector<1x64xf32> to vector<1024x64xf32>
    %add3A_38 = arith.addf %slice3A_33, %add3A_37 : vector<1024x64xf32>
    %swap3A = arith.constant 0 : index
    %swap3A_39 = arith.constant 0 : index
    %swap3A_40 = vector.load %arg7[%swap3A, %swap3A_39] : memref<1024x64xf32, #tpu.memory_space<vmem>>, vector<1024x64xf32>
    tpu.vector_store %arg7[%swap3A, %swap3A_39], %add3A_32 {strides = array<i32>} : memref<1024x64xf32, #tpu.memory_space<vmem>>, vector<1024x64xf32>,
    %swap3A_41 = arith.constant 0 : index
    %swap3A_42 = arith.constant 0 : index
    %swap3A_43 = vector.load %arg8[%swap3A_41, %swap3A_42] : memref<1024x64xf32, #tpu.memory_space<vmem>>, vector<1024x64xf32>
    tpu.vector_store %arg8[%swap3A_41, %swap3A_42], %add3A_38 {strides = array<i32>} : memref<1024x64xf32, #tpu.memory_space<vmem>>, vector<1024x64xf32>,
    %get3A_44 = arith.constant 0 : index
    %get3A_45 = arith.constant 0 : index
    %get3A_46 = vector.load %arg6[%get3A_44, %get3A_45] : memref<1024x64xf32, #tpu.memory_space<vmem>>, vector<1024x64xf32>
    %exp3A = math.exp %add3A_38 : vector<1024x64xf32>
    %mul3A_47 = arith.mulf %get3A_46, %exp3A : vector<1024x64xf32>
    %add3A_48 = arith.addf %add3A_32, %mul3A_47 : vector<1024x64xf32>
    %swap3A_49 = arith.constant 0 : index
    %swap3A_50 = arith.constant 0 : index
    %swap3A_51 = vector.load %arg9[%swap3A_49, %swap3A_50] : memref<1024x64xf32, #tpu.memory_space<vmem>>, vector<1024x64xf32>
    tpu.vector_store %arg9[%swap3A_49, %swap3A_50], %add3A_48 {strides = array<i32>} : memref<1024x64xf32, #tpu.memory_space<vmem>>, vector<1024x64xf32>,
    return
  }
  func.func @transform_0(%arg0: i32) -> (i32, i32, i32) {
    %c0_i32 = arith.constant 0 : i32
    %c0_i32_0 = arith.constant 0 : i32
    %c0_i32_1 = arith.constant 0 : i32
    return %c0_i32, %arg0, %c0_i32_0 : i32, i32, i32
  }
  func.func @transform_1(%arg0: i32) -> (i32, i32) {
    %c0_i32 = arith.constant 0 : i32
    %c0_i32_0 = arith.constant 0 : i32
    return %arg0, %c0_i32 : i32, i32
  }
  func.func @transform_2(%arg0: i32) -> (i32, i32, i32) {
    %c0_i32 = arith.constant 0 : i32
    %c0_i32_0 = arith.constant 0 : i32
    %c0_i32_1 = arith.constant 0 : i32
    return %c0_i32, %arg0, %c0_i32_0 : i32, i32, i32
  }
  func.func @transform_3(%arg0: i32) -> (i32, i32) {
    %c0_i32 = arith.constant 0 : i32
    %c0_i32_0 = arith.constant 0 : i32
    %c0_i32_1 = arith.constant 0 : i32
    return %c0_i32, %c0_i32_0 : i32, i32
  }
  func.func @transform_4(%arg0: i32) -> (i32, i32) {
    %c0_i32 = arith.constant 0 : i32
    %c0_i32_0 = arith.constant 0 : i32
    %c0_i32_1 = arith.constant 0 : i32
    return %c0_i32, %c0_i32_0 : i32, i32
  }
  func.func @transform_5(%arg0: i32) -> (i32, i32) {
    %c0_i32 = arith.constant 0 : i32
    %c0_i32_0 = arith.constant 0 : i32
    return %arg0, %c0_i32 : i32, i32
  }
  func.func @transform_6(%arg0: i32) -> (i32, i32) {
    %c0_i32 = arith.constant 0 : i32
    %c0_i32_0 = arith.constant 0 : i32
    return %arg0, %c0_i32 : i32, i32
  }
  func.func @transform_7(%arg0: i32) -> (i32, i32) {
    %c0_i32 = arith.constant 0 : i32
    %c0_i32_0 = arith.constant 0 : i32
    return %arg0, %c0_i32 : i32, i32
  }
  func.func @transform_8(%arg0: i32) -> (i32, i32) {
    %c0_i32 = arith.constant 0 : i32
    %c0_i32_0 = arith.constant 0 : i32
    return %arg0, %c0_i32 : i32, i32
  }
}

module attributes {stable_mosaic.version = 14 : i64} {
  func.func @_tc_adj_body(%arg0: i32, %arg1: i32, %arg2: memref<1024x64xf32, #tpu.memory_space<vmem>>, %arg3: memref<1024x64xf32, #tpu.memory_space<vmem>>, %arg4: memref<1024x1024xf32, #tpu.memory_space<vmem>>) attributes {dimension_semantics = [#tpu.dimension_semantics<arbitrary>, #tpu.dimension_semantics<arbitrary>], iteration_bounds = array<i64: 10, 10>, scalar_prefetch = 0 : i64, scratch_operands = 0 : i64, tpu.core_type = #tpu.core_type<tc>, window_params = [{transform_indices = @transform_0, window_bounds = array<i64: 1024, 64>}, {transform_indices = @transform_1, window_bounds = array<i64: 1024, 64>}, {transform_indices = @transform_2, window_bounds = array<i64: 1024, 1024>}]} {
    %get3A = arith.constant 0 : index
    %get3A_0 = arith.constant 0 : index
    %get3A_1 = vector.load %arg2[%get3A, %get3A_0] : memref<1024x64xf32, #tpu.memory_space<vmem>>, vector<1024x64xf32>
    %get3A_2 = arith.constant 0 : index
    %get3A_3 = arith.constant 0 : index
    %get3A_4 = vector.load %arg3[%get3A_2, %get3A_3] : memref<1024x64xf32, #tpu.memory_space<vmem>>, vector<1024x64xf32>
    %dot_general3A = arith.constant dense<0.000000e+00> : vector<1024x1024xf32>
    %dot_general3A_5 = tpu.matmul %get3A_1, %get3A_4, %dot_general3A {dimension_numbers = #tpu.dot_dimension_numbers<[1], [1], [0], [0], [0, 0, 1, 0], [], []>, precision = #tpu.contract_precision<fp32>, transpose_lhs_hint = false} : vector<1024x64xf32>, vector<1024x64xf32>, vector<1024x1024xf32> -> vector<1024x1024xf32>
    %logistic3A = arith.negf %dot_general3A_5 : vector<1024x1024xf32>
    %logistic3A_6 = math.exp %logistic3A : vector<1024x1024xf32>
    %logistic3A_7 = arith.constant 1.000000e+00 : f32
    %logistic3A_8 = vector.broadcast %logistic3A_7 : f32 to vector<1024x1024xf32>
    %logistic3A_9 = arith.addf %logistic3A_8, %logistic3A_6 : vector<1024x1024xf32>
    %logistic3A_10 = arith.divf %logistic3A_8, %logistic3A_9 : vector<1024x1024xf32>
    %swap3A = arith.constant 0 : index
    %swap3A_11 = arith.constant 0 : index
    %swap3A_12 = vector.load %arg4[%swap3A, %swap3A_11] : memref<1024x1024xf32, #tpu.memory_space<vmem>>, vector<1024x1024xf32>
    tpu.vector_store %arg4[%swap3A, %swap3A_11], %logistic3A_10 {strides = array<i32>} : memref<1024x1024xf32, #tpu.memory_space<vmem>>, vector<1024x1024xf32>,
    return
  }
  func.func @transform_0(%arg0: i32, %arg1: i32) -> (i32, i32) {
    %c0_i32 = arith.constant 0 : i32
    %c0_i32_0 = arith.constant 0 : i32
    return %arg0, %c0_i32 : i32, i32
  }
  func.func @transform_1(%arg0: i32, %arg1: i32) -> (i32, i32) {
    %c0_i32 = arith.constant 0 : i32
    %c0_i32_0 = arith.constant 0 : i32
    return %arg1, %c0_i32 : i32, i32
  }
  func.func @transform_2(%arg0: i32, %arg1: i32) -> (i32, i32) {
    %c0_i32 = arith.constant 0 : i32
    return %arg0, %arg1 : i32, i32
  }
}

</mosaic_0001>

<sc_bundles>
// kernel: kernel.12.cloned.1.call-start
scs
__scs_entry_jumppad:
0x0: {  	(pc) =	sbr.rel $0x88, $3  }
0x1: {  	(tag) =	ssettag $0x0;
	lr =	simm.s32 $0x1  }
0x2: {  	[smem:$0x3F99] =	sst lr;
	_ =	strace $0xD0000000  }
0x3: {  	_ = 	snop  }
0x4: {  	_ = 	snop  }
0x5: {  	_ = 	snop  }
0x6: {  	_ = 	snop  }
0x7: {  	_ = 	snop  }
__scs_overlays_trampoline_lowered:
0x8: {  	[smem:$0x3FA8] =	sst s0  }
0x9: {  	[smem:$0x3FA9] =	sst s1  }
0xa: {  	[smem:$0x3FAA] =	sst s2  }
0xb: {  	[smem:$0x3FAB] =	sst s3  }
0xc: {  	[smem:$0x3FAC] =	sst s4  }
0xd: {  	[smem:$0x3FAD] =	sst s5  }
0xe: {  	[smem:$0x3FAE] =	sst s6  }
0xf: {  	[smem:$0x3FAF] =	sst s7  }
0x10: {  	[smem:$0x3FB0] =	sst s8  }
0x11: {  	[smem:$0x3FB1] =	sst s9;
	s0 =	simm.s32 @!p0 $0x0  }
0x12: {  	s1 =	sld [smem:$0x3F97];
	s0 =	simm.s32 @p0 $0x1  }
0x13: {  	[smem:$0x3FB2] =	sst s0;
	s0 =	simm.s32 @!p1 $0x0  }
0x14: {  	s2 =	sld [smem:$0x3F96];
	s0 =	simm.s32 @p1 $0x1  }
0x15: {  	[smem:$0x3FB3] =	sst s0;
	s0 =	simm.s32 @!p2 $0x0  }
0x16: {  	s3 =	sld [smem:$0x3FDB];
	s0 =	simm.s32 @p2 $0x1  }
0x17: {  	s4 =	simm.s32 $0x1BF5;
	[smem:$0x3FB5] =	sst s0  }
0x18: {  	s0 =	sld [smem:$0x3F98];
	_ =	swait.ge [sflag:s4], $0x0  }
0x19: {  	s7 =	sld [smem:$0x3F99]  }
0x1a: {  	s8 =	sadd.s32 $0xFFFFE003, lr  }
0x1b: {  	s9 =	sadd.s32 $0xFFFFFEF7, lr;
	s5 =	simm.s32 $0xFFFFFFFF;
	p2 =	slt.u32 s8, $0xFFFFF086  }
0x1c: {  	p1 =	slt.u32 s9, $0xF7A;
	s5 =	simm.s32 @!p2 $0x0  }
0x1d: {  	s5 =	simm.s32 @p1 $0x1;
	p0 =	seq.s32 s7, s2  }
0x1e: {  	s7 =	smul.u32 @!p0 $0xF7A, s2;
	p2 =	seq.s32 @!p0 s5, $0x0  }
0x1f: {  	s9 =	smul.u32 $0xF7A, s1;
	s8 =	simm.s32 @!p0 $0x1BF5;
	p2 =	por !p2, p0  }
0x20: {  	[sflag:s8] =	ssyncset.s32 @!p0 $0xFFFFF086;
	s6 =	sadd.s32 @!p0 s3, s7;
	s7 =	simm.s32 @!p0 $0x108  }
0x21: {  	s3 =	sadd.s32 s3, s9;
	s6 =	sadd.s32 @!p0 $0x88, s6;
	s7 =	simm.s32 @p2 $0x1082  }
0x22: {  	[simem:s7], [sflag:s8] =	dma.local @!p0 [hbm:s6], $0xF7A  }
0x23: {  	s9 =	sor.u32 $0xD0000000, s2;
	s6 =	simm.s32 $0x108;
	_ =	swait.ge @!p0 [sflag:s8], $0x0  }
0x24: {  	s3 =	sadd.s32 $0x88, s3;
	s6 =	simm.s32 @!p1 $0x1082;
	[sflag:s4] =	ssyncset.s32 $0xFFFFF086  }
0x25: {  	[simem:s6], [sflag:s4] =	dma.local [hbm:s3], $0xF7A  }
0x26: {  	[smem:$0x3F99] =	sst s1;
	(tag) =	ssettag s2;
	_ =	strace s9  }
0x27: {  	s1 =	sld [smem:$0x3FA9]  }
0x28: {  	s2 =	sld [smem:$0x3FAA]  }
0x29: {  	s4 =	sld [smem:$0x3FAC]  }
0x2a: {  	p0 =	seq.s32 s5, $0x0;
	s5 =	sld [smem:$0x3FAD]  }
0x2b: {  	s6 =	sld [smem:$0x3FAE]  }
0x2c: {  	s7 =	sld [smem:$0x3FAF]  }
0x2d: {  	s3 =	simm.s32 $0x108;
	s8 =	sld [smem:$0x3FB0]  }
0x2e: {  	s3 =	simm.s32 @!p0 $0x1082;
	s9 =	sld [smem:$0x3FB1]  }
0x2f: {  	lr =	sadd.s32 s0, s3;
	s0 =	sld [smem:$0x3FA8]  }
0x30: {  	s3 =	sld [smem:$0x3FAB]  }
0x31: {  	[smem:$0x3FB4] =	sst s10  }
0x32: {  	s10 =	sld [smem:$0x3FB2];
	_ =	sdelay $0x3  }
0x33: {  	p0 =	seq.s32 s10, $0x1;
	s10 =	sld [smem:$0x3FB4];
	_ =	sdelay $0x3  }
0x34: {  	[smem:$0x3FB4] =	sst s10  }
0x35: {  	s10 =	sld [smem:$0x3FB3];
	_ =	sdelay $0x3  }
0x36: {  	p1 =	seq.s32 s10, $0x1;
	s10 =	sld [smem:$0x3FB4];
	_ =	sdelay $0x3  }
0x37: {  	[smem:$0x3FB4] =	sst s10  }
0x38: {  	s10 =	sld [smem:$0x3FB5]  }
0x39: {  	_ = 	snop;
	(pc) =	sbr.ind lr, $3  }
0x3a: {  	_ = 	snop  }
0x3b: {  	_ = 	snop  }
0x3c: {  	p2 =	seq.s32 s10, $0x1;
	s10 =	sld [smem:$0x3FB4]  }
0x3d: {  	_ =	shalt  }
0x3e: {  	_ =	shalt  }
0x3f: {  	_ =	shalt  }
0x40: {  	_ =	shalt  }
0x41: {  	_ =	shalt  }
0x42: {  	_ =	shalt  }
0x43: {  	_ =	shalt  }
0x44: {  	_ =	shalt  }
0x45: {  	_ =	shalt  }
0x46: {  	_ =	shalt  }
0x47: {  	_ =	shalt  }
0x48: {  	_ =	shalt  }
0x49: {  	_ =	shalt  }
0x4a: {  	_ =	shalt  }
0x4b: {  	_ =	shalt  }
0x4c: {  	_ =	shalt  }
0x4d: {  	_ =	shalt  }
0x4e: {  	_ =	shalt  }
0x4f: {  	_ =	shalt  }
0x50: {  	_ =	shalt  }
0x51: {  	_ =	shalt  }
0x52: {  	_ =	shalt  }
0x53: {  	_ =	shalt  }
0x54: {  	_ =	shalt  }
0x55: {  	_ =	shalt  }
0x56: {  	_ =	shalt  }
0x57: {  	_ =	shalt  }
0x58: {  	_ =	shalt  }
0x59: {  	_ =	shalt  }
0x5a: {  	_ =	shalt  }
0x5b: {  	_ =	shalt  }
0x5c: {  	_ =	shalt  }
0x5d: {  	_ =	shalt  }
0x5e: {  	_ =	shalt  }
0x5f: {  	_ =	shalt  }
0x60: {  	_ =	shalt  }
0x61: {  	_ =	shalt  }
0x62: {  	_ =	shalt  }
0x63: {  	_ =	shalt  }
0x64: {  	_ =	shalt  }
0x65: {  	_ =	shalt  }
0x66: {  	_ =	shalt  }
0x67: {  	_ =	shalt  }
0x68: {  	_ =	shalt  }
0x69: {  	_ =	shalt  }
0x6a: {  	_ =	shalt  }
0x6b: {  	_ =	shalt  }
0x6c: {  	_ =	shalt  }
0x6d: {  	_ =	shalt  }
0x6e: {  	_ =	shalt  }
0x6f: {  	_ =	shalt  }
0x70: {  	_ =	shalt  }
0x71: {  	_ =	shalt  }
0x72: {  	_ =	shalt  }
0x73: {  	_ =	shalt  }
0x74: {  	_ =	shalt  }
0x75: {  	_ =	shalt  }
0x76: {  	_ =	shalt  }
0x77: {  	_ =	shalt  }
0x78: {  	_ =	shalt  }
0x79: {  	_ =	shalt  }
0x7a: {  	_ =	shalt  }
0x7b: {  	_ =	shalt  }
0x7c: {  	_ =	shalt  }
0x7d: {  	_ =	shalt  }
0x7e: {  	_ =	shalt  }
0x7f: {  	_ =	shalt  }
0x80: {  	_ =	shalt  }
0x81: {  	_ =	shalt  }
0x82: {  	_ =	shalt  }
0x83: {  	_ =	shalt  }
0x84: {  	_ =	shalt  }
0x85: {  	_ =	shalt  }
0x86: {  	_ =	shalt  }
0x87: {  	_ =	shalt  }
.Lfunc_end0:
.L_simem_size_0:
called_computation.1_lowered:
.L_overlay_start_0:
0x88: {  	s2 =	sld [smem:$0x3FD9]  }
0x89: {  	s3 =	sld [smem:$0x3FFE];
	_ =	sdelay $0x1  }
0x8a: {  	s1 =	srdreg.scid  }
0x8b: {  	s0 =	sand.u32 $0x1, s1  }
0x8c: {  	s14 =	sshll.u32 s0, $0xA;
	s2 =	sadd.s32 s3, s2  }
0x8d: {  	s2 =	sadd.s32 s2, s14  }
0x8e: {  	[smem:$0x3FC0] =	sst s2  }
0x8f: {  	_ = 	snop  }
0x90: {  	s2 =	sld [smem:$0x3FD0];
	_ =	sdelay $0x2  }
0x91: {  	s15 =	simm.s32 $0xA;
	s4 =	simm.s32 $0x10  }
0x92: {  	[smem:s4], [sflag:s15] =	dma.local [hbm:s2], $0x1  }
0x93: {  	_ =	swait.eq [sflag:s15], $0x1  }
0x94: {  	s16 =	sld [smem:$0x10];
	[sflag:s15] =	ssyncset.done $0x0  }
0x95: {  	s17 =	sld [smem:$0x12];
	[sflag:s15] =	ssyncadd.s32 $0xFFFFFFFF  }
0x96: {  	s18 =	sld [smem:$0x13];
	(tm) =	ssettm $0x1  }
0x97: {  	s5 =	sld [smem:$0x3FFB];
	_ =	sdelay $0x3  }
0x98: {  	_ =	strace s5  }
0x99: {  	s5 =	sld [smem:$0x3FFC];
	_ =	sdelay $0x3  }
0x9a: {  	_ =	strace s5  }
0x9b: {  	s5 =	sld [smem:$0x3FFD];
	_ =	sdelay $0x3  }
0x9c: {  	_ =	strace s5  }
0x9d: {  	_ =	strace $0x8FFFFFFF  }
0x9e: {  	s19 =	sld [smem:$0x3FDB];
	_ =	sdelay $0x1  }
0x9f: {  	s6 =	simm.s32 $_scs_section_size  }
0xa0: {  	s7 =	simm.s32 $_size__tile_overlayer_lowered;
	s8 =	simm.s32 $_tile_overlayer_lowered  }
0xa1: {  	s22 =	simm.s32 $0x1BFF;
	s21 =	sshll.u32 s8, $0x1;
	s5 =	sadd.s32 s6, s19  }
0xa2: {  	s9 =	simm.s32 $0x0;
	s20 =	sshll.u32 s7, $0x1;
	s7 =	sadd.s32 s21, s5  }
0xa3: {  	[timem:s9], [sflag:s22] =	dma.local [hbm:s7], s20  }
0xa4: {  	_ =	swait.ge [sflag:s22], s20  }
0xa5: {  	s6 =	ssub.s32 $0x0, s20;
	[sflag:s22] =	ssyncset.done $0x0  }
0xa6: {  	[sflag:s22] =	ssyncadd.s32 s6;
	_ =	sdelay $0x1  }
0xa7: {  	s23 =	simm.s32 $0x1B8B  }
0xa8: {  	_ =	swait.ge [sflag:s23], $0x1  }
0xa9: {  	[sflag:s23] =	ssyncset.done $0x0  }
0xaa: {  	s25 =	simm.s32 $0x1B8E;
	s24 =	sld [smem:$0x3FFE];
	[sflag:s23] =	ssyncadd.s32 $0xFFFFFFFF  }
0xab: {  	s26 =	simm.s32 $execute0_lowered;
	[smem:$0x3FD2] =	sst s25  }
0xac: {  	s7 =	sshll.u32 s26, $0x1;
	_ =	strace $0x80000049;
	[dreg:$0x1] =	wrdreg $0xFFFFFFFF  }
0xad: {  	s28 =	simm.s32 $_size_execute0_lowered;
	s5 =	sadd.s32 s5, s7;
	[dreg:$0x0] =	wrdreg $0x0  }
0xae: {  	s7 =	sshll.u32 s28, $0x1;
	[dreg:$0x2] =	wrdreg s5  }
0xaf: {  	[dreg:$0x3] =	wrdreg s7  }
0xb0: {  	[dreg:$0x4] =	wrdreg $0xC0  }
0xb1: {  	_ =	task [dreg:s9], $0x5FFFF  }
0xb2: {  	[dreg:$0x1] =	wrdreg $0xFFFFFFFF  }
0xb3: {  	[dreg:$0x0] =	wrdreg $0x60  }
0xb4: {  	[dreg:$0x2] =	wrdreg s24  }
0xb5: {  	[dreg:$0x3] =	wrdreg s18  }
0xb6: {  	[dreg:$0x4] =	wrdreg s17  }
0xb7: {  	[dreg:$0x5] =	wrdreg s16  }
0xb8: {  	[dreg:$0x6] =	wrdreg $0xBC000  }
0xb9: {  	[dreg:$0x7] =	wrdreg $0x9  }
0xba: {  	_ =	task.clear_ibuf [dreg:s9], $0x8FFFF;
	_ =	strace $0x90000049  }
0xbb: {  	s29 =	simm.s32 $0x9;
	_ =	strace $0x8000004B  }
0xbc: {  	_ =	swait.ge [sflag:s29], $0x1  }
0xbd: {  	[sflag:s29] =	ssyncadd.s32 $0xFFFFFFFF  }
0xbe: {  	_ =	strace $0x9000004B  }
0xbf: {  	_ =	sfence  }
0xc0: {  	s30 =	sld [smem:$0x0];
	_ =	sdelay $0x2  }
0xc1: {  	s31 =	sshll.u32 s1, $0xD;
	s1 =	sshrl.u32 s1, $0x2  }
0xc2: {  	s3 =	sand.u32 $0x4000, s31;
	s1 =	sadd.s32 s1, s30  }
0xc3: {  	s0 =	sor.u32 s3, s0;
	s1 =	sshll.u32 s1, $0x11  }
0xc4: {  	s0 =	sor.u32 s1, s0  }
0xc5: {  	s0 =	sadd.s32 $0x8F2B, s0  }
0xc6: {  	[sflag:s0] =	ssyncadd.remote.s32 $0x1  }
0xc7: {  	_ =	sfence.sel $0xFFFF  }
0xc8: {  	[dreg:$0x0] =	wrdreg $0xFFFFFFFF;
	(pc) =	sbr.abs _section_cstart, $3  }
0xc9: {  	[dreg:$0x1] =	wrdreg $0xFFFFFFFF  }
0xca: {  	_ =	task.clear_ibuf [dreg:s9], $0x2FFFF;
	_ =	strace $0x9FFFFFFF  }
0xcb: {  	(tm) =	ssettm $0x7FFFFFFF  }
tec
execute0_lowered:
.L_overlay_start_1:
0x0: {  	(tag) =	ssettag $0x1  }
0x1: {  	s4 =	rddreg [dreg:$0x0]  }
0x2: {  	s6 =	rddreg [dreg:$0x1]  }
0x3: {  	s7 =	rddreg [dreg:$0x2]  }
0x4: {  	s9 =	rddreg [dreg:$0x3]  }
0x5: {  	s0 =	srdreg.scid;
	s2 =	rddreg [dreg:$0x4];
	s15 =	simm.s32 $0x3C00  }
0x6: {  	s16 =	simm.s32 $0x3;
	s17 =	simm.s32 $0x1400;
	s18 =	simm.s32 $0x80  }
0x7: {  	s19 =	simm.s32 $0x1;
	s20 =	simm.s32 $0x7C00;
	s21 =	simm.s32 $0x2  }
0x8: {  	s22 =	simm.s32 $0x1380;
	s23 =	simm.s32 $0x2700;
	s24 =	simm.s32 $0x2780  }
0x9: {  	s25 =	simm.s32 $0x3B00;
	s5 =	sand.u32 $0x1, s0;
	s0 =	stileid.u32  }
0xa: {  	s26 =	simm.s32 $0x3B80;
	s28 =	simm.s32 $0x0;
	s8 =	smul.u32 $0x50000, s0  }
0xb: {  	s1 =	sshll.u32 s5, $0x4;
	s11 =	ssub.s32 $0x2, s5;
	s5 =	smul.u32 $0x140000, s5  }
0xc: {  	s4 =	sadd.s32 $0x53200, s4;
	s13 =	smul.u32 $0x14000, s0;
	s3 =	sor.u32 s0, s1  }
0xd: {  	s1 =	rddreg [dreg:$0x5];
	s12 =	sshrl.u32 s11, $0x1;
	s10 =	smul.u32 $0x2800, s3  }
0xe: {  	s3 =	simm.s32 $0x0;
	s11 =	ssub.s32 s11, s12;
	s8 =	sshrl.u32 s8, $0x2  }
0xf: {  	s31 =	sadd.s32 s13, s5;
	[smem:$0x7FF] =	sst s3;
	s5 =	sadd.s32 s8, s2  }
0x10: {  	s12 =	sshrl.u32 s31, $0x3;
	_ =	strace $0x8000004A;
	s10 =	sshrl.u32 s10, $0x3  }
0x11: {  	s9 =	sadd.s32 s9, s12;
	s12 =	sadd.s32 $0x8000, s5;
	s13 =	sadd.s32 $0xC000, s5  }
0x12: {  	s14 =	sadd.s32 $0x10000, s5;
	s6 =	sadd.s32 s6, s10;
	s7 =	sadd.s32 s7, s10  }
0x13: {  	v0 =	vimm.f32 $0.0e+00;
	s10 =	smax.u32 s11, $0x1;
	s11 =	sadd.s32 $0x4000, s5;
	s8 =	sadd.s32 $0x280, s6  }
.LBB2_1:
0x14: {  	s29 =	simm.s32 $0x0;
	s30 =	simm.s32 $0x200  }
.LBB2_2:
0x15: {  	p0 =	sne.s32 s30, $0xFE00;
	[tilespmem:s29+$0x3C70] =	vst v0  }
0x16: {  	[tilespmem:s29+$0x3C00] =	vst v0  }
0x17: {  	[tilespmem:s29+$0x3C10] =	vst v0  }
.Ltmp0:
0x18: {  	[tilespmem:s29+$0x3C20] =	vst v0;
	(pc) =	sbr.rel @p0 .LBB2_2-.Ltmp0, $4  }
0x19: {  	[tilespmem:s29+$0x3C30] =	vst v0  }
0x1a: {  	[tilespmem:s29+$0x3C40] =	vst v0  }
0x1b: {  	[tilespmem:s29+$0x3C50] =	vst v0  }
0x1c: {  	[tilespmem:s29+$0x3C60] =	vst v0;
	s29 =	sshra.s32 s30, $0x2;
	s30 =	sadd.s32 $0x200, s30  }
0x1d: {  	[tilespmem:s29+$0x3C70] =	vst v0  }
0x1e: {  	[tilespmem:s29+$0x3C00] =	vst v0  }
0x1f: {  	[tilespmem:s29+$0x3C10] =	vst v0  }
0x20: {  	[tilespmem:s29+$0x3C20] =	vst v0  }
0x21: {  	[tilespmem:s29+$0x3C30] =	vst v0  }
0x22: {  	[tilespmem:s29+$0x3C40] =	vst v0  }
0x23: {  	[tilespmem:s29+$0x3C50] =	vst v0  }
0x24: {  	[tilespmem:s29+$0x3C60] =	vst v0  }
0x25: {  	[spmem:s5] =	stream.linear.scatter [tilespmem:s15], [sflag:$0x3], $0x4000, $0x38;
	[tilespmem:$0x1FC00] =	vst v63  }
0x26: {  	_ =	swait.ge [sflag:s16], $0x4000  }
0x27: {  	[sflag:s16] =	ssyncset.done $0x0  }
0x28: {  	[sflag:s16] =	ssyncadd.s32 $0xFFFFC000  }
0x29: {  	[spmem:s11] =	stream.linear.scatter [tilespmem:s15], [sflag:$0x3], $0x4000, $0x38;
	[tilespmem:$0x1FC00] =	vst v63  }
0x2a: {  	_ =	swait.ge [sflag:s16], $0x4000  }
0x2b: {  	[sflag:s16] =	ssyncset.done $0x0  }
0x2c: {  	[sflag:s16] =	ssyncadd.s32 $0xFFFFC000  }
0x2d: {  	[spmem:s12] =	stream.linear.scatter [tilespmem:s15], [sflag:$0x3], $0x4000, $0x38;
	[tilespmem:$0x1FC00] =	vst v63  }
0x2e: {  	_ =	swait.ge [sflag:s16], $0x4000  }
0x2f: {  	[sflag:s16] =	ssyncset.done $0x0  }
0x30: {  	[sflag:s16] =	ssyncadd.s32 $0xFFFFC000  }
0x31: {  	[spmem:s13] =	stream.linear.scatter [tilespmem:s15], [sflag:$0x3], $0x4000, $0x38;
	[tilespmem:$0x1FC00] =	vst v63  }
0x32: {  	_ =	swait.ge [sflag:s16], $0x4000  }
0x33: {  	[sflag:s16] =	ssyncset.done $0x0  }
0x34: {  	[sflag:s16] =	ssyncadd.s32 $0xFFFFC000  }
0x35: {  	[spmem:s14] =	stream.linear.scatter [tilespmem:s15], [sflag:$0x3], $0x4000, $0x38;
	[tilespmem:$0x1FC00] =	vst v63  }
0x36: {  	_ =	swait.ge [sflag:s16], $0x4000  }
0x37: {  	[sflag:s16] =	ssyncset.done $0x0  }
0x38: {  	[sflag:s16] =	ssyncadd.s32 $0xFFFFC000  }
0x39: {  	s29 =	simm.s32 $0x0;
	[bflag:$0x0] =	sbarrier.arrive $0xFFFF  }
0x3a: {  	[tilespmem:s17], [sflag:$0x3] =	stream.linear.gather [hbm4b:s7+s29], $0x2800, $0x38;
	[tilespmem:$0x1FC00] =	vst v63  }
0x3b: {  	_ =	swait.ge [sflag:s16], $0x2800  }
0x3c: {  	[sflag:s16] =	ssyncset.done $0x0  }
0x3d: {  	[sflag:s16] =	ssyncadd.s32 $0xFFFFD800  }
0x3e: {  	[tilespmem:s29], [sflag:$0x3] =	stream.linear.gather [hbm4b:s6+s29], $0x1400, $0x38;
	[tilespmem:$0x1FC00] =	vst v63  }
0x3f: {  	_ =	swait.ge [sflag:s16], $0x1400  }
0x40: {  	[sflag:s16] =	ssyncset.done $0x0  }
0x41: {  	[sflag:s16] =	ssyncadd.s32 $0xFFFFEC00  }
0x42: {  	[tilespmem:s15], [sflag:$0x1] =	stream.indirect.gather [hbm4b:s4+s18], $0x80, s29, s18, $0xb8;
	[tilespmem:$0x1FC00] =	vst v63  }
0x43: {  	_ =	swait.ge [sflag:s19], $0x4000  }
0x44: {  	[sflag:s19] =	ssyncset.done $0x0  }
0x45: {  	s29 =	simm.s32 $0x80;
	[sflag:s19] =	ssyncadd.s32 $0xFFFFC000  }
0x46: {  	[tilespmem:s20], [sflag:$0x2] =	stream.indirect.gather [hbm4b:s4+s18], $0x80, s29, s18, $0xb8;
	[tilespmem:$0x1FC00] =	vst v63  }
0x47: {  	s29 =	simm.s32 $0x1400  }
0x48: {  	[spmem:s2] =	stream.indirect.scatter.add.f32 [tilespmem:s15], [sflag:$0x3], $0x80, s29, s18, $0xb8;
	[tilespmem:$0x1FC00] =	vst v63  }
0x49: {  	_ =	swait.ge [sflag:s16], $0x4000  }
0x4a: {  	[sflag:s16] =	ssyncset.done $0x0  }
0x4b: {  	[sflag:s16] =	ssyncadd.s32 $0xFFFFC000  }
0x4c: {  	_ =	swait.ge [sflag:s21], $0x4000  }
0x4d: {  	[sflag:s21] =	ssyncset.done $0x0  }
0x4e: {  	s29 =	simm.s32 $0x100;
	[sflag:s21] =	ssyncadd.s32 $0xFFFFC000  }
0x4f: {  	[tilespmem:s15], [sflag:$0x1] =	stream.indirect.gather [hbm4b:s4+s18], $0x80, s29, s18, $0xb8;
	[tilespmem:$0x1FC00] =	vst v63  }
0x50: {  	s29 =	simm.s32 $0x1480  }
0x51: {  	[spmem:s2] =	stream.indirect.scatter.add.f32 [tilespmem:s20], [sflag:$0x3], $0x80, s29, s18, $0xb8;
	[tilespmem:$0x1FC00] =	vst v63  }
0x52: {  	_ =	swait.ge [sflag:s16], $0x4000  }
0x53: {  	s29 =	simm.s32 $0x400;
	[sflag:s16] =	ssyncset.done $0x0  }
.LBB2_4:
0x54: {  	p0 =	sne.s32 s29, $0x4800  }
0x55: {  	[sflag:s16] =	ssyncadd.s32 $0xFFFFC000;
	s30 =	smov.u32 s29;
	s29 =	sadd.s32 $0x400, s29  }
0x56: {  	_ = 	snop  }
0x57: {  	_ =	swait.ge [sflag:s19], $0x4000  }
0x58: {  	s30 =	sshra.s32 s30, $0x2;
	[sflag:s19] =	ssyncset.done $0x0  }
0x59: {  	s31 =	sadd.s32 $0x80, s30;
	[sflag:s19] =	ssyncadd.s32 $0xFFFFC000  }
0x5a: {  	[tilespmem:s20], [sflag:$0x2] =	stream.indirect.gather [hbm4b:s4+s18], $0x80, s31, s18, $0xb8;
	[tilespmem:$0x1FC00] =	vst v63  }
0x5b: {  	s31 =	sadd.s32 $0x1400, s30  }
0x5c: {  	[spmem:s2] =	stream.indirect.scatter.add.f32 [tilespmem:s15], [sflag:$0x3], $0x80, s31, s18, $0xb8;
	[tilespmem:$0x1FC00] =	vst v63  }
0x5d: {  	_ =	swait.ge [sflag:s16], $0x4000  }
0x5e: {  	[sflag:s16] =	ssyncset.done $0x0  }
0x5f: {  	[sflag:s16] =	ssyncadd.s32 $0xFFFFC000  }
0x60: {  	_ =	swait.ge [sflag:s21], $0x4000  }
0x61: {  	[sflag:s21] =	ssyncset.done $0x0  }
0x62: {  	s31 =	sadd.s32 $0x100, s30;
	[sflag:s21] =	ssyncadd.s32 $0xFFFFC000  }
0x63: {  	[tilespmem:s15], [sflag:$0x1] =	stream.indirect.gather [hbm4b:s4+s18], $0x80, s31, s18, $0xb8;
	[tilespmem:$0x1FC00] =	vst v63  }
.Ltmp1:
0x64: {  	_ = 	snop;
	(pc) =	sbr.rel @p0 .LBB2_4-.Ltmp1, $4  }
0x65: {  	s30 =	sadd.s32 $0x1480, s30  }
0x66: {  	[spmem:s2] =	stream.indirect.scatter.add.f32 [tilespmem:s20], [sflag:$0x3], $0x80, s30, s18, $0xb8;
	[tilespmem:$0x1FC00] =	vst v63  }
0x67: {  	_ =	swait.ge [sflag:s16], $0x4000  }
0x68: {  	[sflag:s16] =	ssyncset.done $0x0  }
0x69: {  	[sflag:s16] =	ssyncadd.s32 $0xFFFFC000  }
0x6a: {  	_ =	swait.ge [sflag:s19], $0x4000  }
0x6b: {  	[sflag:s19] =	ssyncset.done $0x0  }
0x6c: {  	[sflag:s19] =	ssyncadd.s32 $0xFFFFC000  }
0x6d: {  	[tilespmem:s20], [sflag:$0x2] =	stream.indirect.gather [hbm4b:s4+s18], $0x80, s22, s18, $0xb8;
	[tilespmem:$0x1FC00] =	vst v63  }
0x6e: {  	_ = 	snop  }
0x6f: {  	[spmem:s2] =	stream.indirect.scatter.add.f32 [tilespmem:s15], [sflag:$0x3], $0x80, s23, s18, $0xb8;
	[tilespmem:$0x1FC00] =	vst v63  }
0x70: {  	_ =	swait.ge [sflag:s16], $0x4000  }
0x71: {  	[sflag:s16] =	ssyncset.done $0x0  }
0x72: {  	[sflag:s16] =	ssyncadd.s32 $0xFFFFC000  }
0x73: {  	_ =	swait.ge [sflag:s21], $0x4000  }
0x74: {  	[sflag:s21] =	ssyncset.done $0x0  }
0x75: {  	[sflag:s21] =	ssyncadd.s32 $0xFFFFC000  }
0x76: {  	[spmem:s2] =	stream.indirect.scatter.add.f32 [tilespmem:s20], [sflag:$0x3], $0x80, s24, s18, $0xb8;
	[tilespmem:$0x1FC00] =	vst v63  }
0x77: {  	_ =	swait.ge [sflag:s16], $0x4000  }
0x78: {  	[sflag:s16] =	ssyncset.done $0x0  }
0x79: {  	[sflag:s16] =	ssyncadd.s32 $0xFFFFC000  }
0x7a: {  	[tilespmem:s3], [sflag:$0x3] =	stream.linear.gather [hbm4b:s8+s3], $0x1400, $0x38;
	[tilespmem:$0x1FC00] =	vst v63  }
0x7b: {  	_ =	swait.ge [sflag:s16], $0x1400  }
0x7c: {  	[sflag:s16] =	ssyncset.done $0x0  }
0x7d: {  	[sflag:s16] =	ssyncadd.s32 $0xFFFFEC00  }
0x7e: {  	[tilespmem:s15], [sflag:$0x1] =	stream.indirect.gather [hbm4b:s4+s18], $0x80, s3, s18, $0xb8;
	[tilespmem:$0x1FC00] =	vst v63  }
0x7f: {  	_ =	swait.ge [sflag:s19], $0x4000  }
0x80: {  	[sflag:s19] =	ssyncset.done $0x0  }
0x81: {  	s29 =	simm.s32 $0x80;
	[sflag:s19] =	ssyncadd.s32 $0xFFFFC000  }
0x82: {  	[tilespmem:s20], [sflag:$0x2] =	stream.indirect.gather [hbm4b:s4+s18], $0x80, s29, s18, $0xb8;
	[tilespmem:$0x1FC00] =	vst v63  }
0x83: {  	s29 =	simm.s32 $0x2800  }
0x84: {  	[spmem:s2] =	stream.indirect.scatter.add.f32 [tilespmem:s15], [sflag:$0x3], $0x80, s29, s18, $0xb8;
	[tilespmem:$0x1FC00] =	vst v63  }
0x85: {  	_ =	swait.ge [sflag:s16], $0x4000  }
0x86: {  	[sflag:s16] =	ssyncset.done $0x0  }
0x87: {  	[sflag:s16] =	ssyncadd.s32 $0xFFFFC000  }
0x88: {  	_ =	swait.ge [sflag:s21], $0x4000  }
0x89: {  	[sflag:s21] =	ssyncset.done $0x0  }
0x8a: {  	s29 =	simm.s32 $0x100;
	[sflag:s21] =	ssyncadd.s32 $0xFFFFC000  }
0x8b: {  	[tilespmem:s15], [sflag:$0x1] =	stream.indirect.gather [hbm4b:s4+s18], $0x80, s29, s18, $0xb8;
	[tilespmem:$0x1FC00] =	vst v63  }
0x8c: {  	s29 =	simm.s32 $0x2880  }
0x8d: {  	[spmem:s2] =	stream.indirect.scatter.add.f32 [tilespmem:s20], [sflag:$0x3], $0x80, s29, s18, $0xb8;
	[tilespmem:$0x1FC00] =	vst v63  }
0x8e: {  	_ =	swait.ge [sflag:s16], $0x4000  }
0x8f: {  	s29 =	simm.s32 $0xFFFFB800;
	[sflag:s16] =	ssyncset.done $0x0  }
.LBB2_6:
0x90: {  	p0 =	sne.s32 s29, $0xFFFFFC00  }
0x91: {  	[sflag:s16] =	ssyncadd.s32 $0xFFFFC000;
	s30 =	smov.u32 s29;
	s29 =	sadd.s32 $0x400, s29  }
0x92: {  	_ = 	snop  }
0x93: {  	_ =	swait.ge [sflag:s19], $0x4000  }
0x94: {  	s30 =	sshra.s32 s30, $0x2;
	[sflag:s19] =	ssyncset.done $0x0  }
0x95: {  	s31 =	sadd.s32 $0x1380, s30;
	[sflag:s19] =	ssyncadd.s32 $0xFFFFC000  }
0x96: {  	[tilespmem:s20], [sflag:$0x2] =	stream.indirect.gather [hbm4b:s4+s18], $0x80, s31, s18, $0xb8;
	[tilespmem:$0x1FC00] =	vst v63  }
0x97: {  	s31 =	sadd.s32 $0x3B00, s30  }
0x98: {  	[spmem:s2] =	stream.indirect.scatter.add.f32 [tilespmem:s15], [sflag:$0x3], $0x80, s31, s18, $0xb8;
	[tilespmem:$0x1FC00] =	vst v63  }
0x99: {  	_ =	swait.ge [sflag:s16], $0x4000  }
0x9a: {  	[sflag:s16] =	ssyncset.done $0x0  }
0x9b: {  	[sflag:s16] =	ssyncadd.s32 $0xFFFFC000  }
0x9c: {  	_ =	swait.ge [sflag:s21], $0x4000  }
0x9d: {  	[sflag:s21] =	ssyncset.done $0x0  }
0x9e: {  	s31 =	sadd.s32 $0x1400, s30;
	[sflag:s21] =	ssyncadd.s32 $0xFFFFC000  }
0x9f: {  	[tilespmem:s15], [sflag:$0x1] =	stream.indirect.gather [hbm4b:s4+s18], $0x80, s31, s18, $0xb8;
	[tilespmem:$0x1FC00] =	vst v63  }
.Ltmp2:
0xa0: {  	_ = 	snop;
	(pc) =	sbr.rel @p0 .LBB2_6-.Ltmp2, $4  }
0xa1: {  	s30 =	sadd.s32 $0x3B80, s30  }
0xa2: {  	[spmem:s2] =	stream.indirect.scatter.add.f32 [tilespmem:s20], [sflag:$0x3], $0x80, s30, s18, $0xb8;
	[tilespmem:$0x1FC00] =	vst v63  }
0xa3: {  	_ =	swait.ge [sflag:s16], $0x4000  }
0xa4: {  	[sflag:s16] =	ssyncset.done $0x0  }
0xa5: {  	[sflag:s16] =	ssyncadd.s32 $0xFFFFC000  }
0xa6: {  	_ =	swait.ge [sflag:s19], $0x4000  }
0xa7: {  	[sflag:s19] =	ssyncset.done $0x0  }
0xa8: {  	[sflag:s19] =	ssyncadd.s32 $0xFFFFC000  }
0xa9: {  	[tilespmem:s20], [sflag:$0x2] =	stream.indirect.gather [hbm4b:s4+s18], $0x80, s22, s18, $0xb8;
	[tilespmem:$0x1FC00] =	vst v63  }
0xaa: {  	_ = 	snop  }
0xab: {  	[spmem:s2] =	stream.indirect.scatter.add.f32 [tilespmem:s15], [sflag:$0x3], $0x80, s25, s18, $0xb8;
	[tilespmem:$0x1FC00] =	vst v63  }
0xac: {  	_ =	swait.ge [sflag:s16], $0x4000  }
0xad: {  	[sflag:s16] =	ssyncset.done $0x0  }
0xae: {  	[sflag:s16] =	ssyncadd.s32 $0xFFFFC000  }
0xaf: {  	_ =	swait.ge [sflag:s21], $0x4000  }
0xb0: {  	[sflag:s21] =	ssyncset.done $0x0  }
0xb1: {  	[sflag:s21] =	ssyncadd.s32 $0xFFFFC000  }
0xb2: {  	[spmem:s2] =	stream.indirect.scatter.add.f32 [tilespmem:s20], [sflag:$0x3], $0x80, s26, s18, $0xb8;
	[tilespmem:$0x1FC00] =	vst v63  }
0xb3: {  	_ =	swait.ge [sflag:s16], $0x4000  }
0xb4: {  	s29 =	sshll.u32 s0, $0x6;
	s28 =	sadd.s32 $0x1, s28;
	[sflag:s16] =	ssyncset.done $0x0  }
0xb5: {  	s30 =	sshrl.u32 s5, $0x3;
	p0 =	sne.s32 s28, s10;
	[sflag:s16] =	ssyncadd.s32 $0xFFFFC000  }
.Ltmp3:
0xb6: {  	s29 =	sor.u32 $0x1C03, s29;
	[bflag:$0x0] =	sbarrier.arrive $0xFFFF;
	(pc) =	sbr.rel @p0 .LBB2_1-.Ltmp3, $4  }
0xb7: {  	[hbm:s9], [sflag:s29] =	dma.local [spmem:s30], $0x2800  }
0xb8: {  	_ =	swait.ge [sflag:s16], $0x2800  }
0xb9: {  	[sflag:s16] =	ssyncset.done $0x0  }
0xba: {  	[sflag:s16] =	ssyncadd.s32 $0xFFFFD800  }
0xbb: {  	_ =	sfence.sel $0x180000  }
0xbc: {  	[bflag:$0x0] =	sbarrier.arrive $0xFFFF  }
0xbd: {  	p0 =	sne.s32 s0, $0x0;
	_ =	strace $0x9000004A  }
0xbe: {  	s0 =	sadd.s32 @!p0 $0x100000, s1;
	[bflag:$0x2] =	sbarrier.arrive $0xFFFF  }
0xbf: {  	[sflag:s0] =	ssyncadd.tile.s32 @!p0 $0x1;
	_ =	shalt  }
.Lfunc_end2:
_tile_overlayer_lowered:
.L_overlay_start_2:
0xc0: {  	(tag) =	ssettag $0x2  }
0xc1: {  	s0 =	rddreg [dreg:$0x0];
	s2 =	stileid.u32  }
0xc2: {  	s1 =	rddreg [dreg:$0x1];
	p0 =	sne.s32 s2, $0x0  }
0xc3: {  	s3 =	rddreg [dreg:$0x2];
	[bflag:$0x3] =	sbarrier.arrive $0xFFFF;
	s2 =	simm.s32 @!p0 $0x1C03  }
0xc4: {  	[timem:s3], [sflag:s2] =	dma.local @!p0 [hbm:s0], s1  }
0xc5: {  	s0 =	simm.s32 @!p0 $0x3  }
0xc6: {  	_ =	swait.ge @!p0 [sflag:s0], s1  }
0xc7: {  	s1 =	ssub.s32 @!p0 $0x0, s1;
	[sflag:s0] =	ssyncset.done @!p0 $0x0  }
0xc8: {  	[sflag:s0] =	ssyncadd.s32 @!p0 s1  }
0xc9: {  	[bflag:$0x3] =	sbarrier.arrive $0xFFFF  }
0xca: {  	_ =	shalt  }

// kernel: kernel.15.cloned.1.call-start
scs
__scs_entry_jumppad:
0x0: {  	(pc) =	sbr.rel $0x88, $3  }
0x1: {  	(tag) =	ssettag $0x0;
	lr =	simm.s32 $0x1  }
0x2: {  	[smem:$0x3F99] =	sst lr;
	_ =	strace $0xD0000000  }
0x3: {  	_ = 	snop  }
0x4: {  	_ = 	snop  }
0x5: {  	_ = 	snop  }
0x6: {  	_ = 	snop  }
0x7: {  	_ = 	snop  }
__scs_overlays_trampoline_lowered:
0x8: {  	[smem:$0x3FA8] =	sst s0  }
0x9: {  	[smem:$0x3FA9] =	sst s1  }
0xa: {  	[smem:$0x3FAA] =	sst s2  }
0xb: {  	[smem:$0x3FAB] =	sst s3  }
0xc: {  	[smem:$0x3FAC] =	sst s4  }
0xd: {  	[smem:$0x3FAD] =	sst s5  }
0xe: {  	[smem:$0x3FAE] =	sst s6  }
0xf: {  	[smem:$0x3FAF] =	sst s7  }
0x10: {  	[smem:$0x3FB0] =	sst s8  }
0x11: {  	[smem:$0x3FB1] =	sst s9;
	s0 =	simm.s32 @!p0 $0x0  }
0x12: {  	s1 =	sld [smem:$0x3F97];
	s0 =	simm.s32 @p0 $0x1  }
0x13: {  	[smem:$0x3FB2] =	sst s0;
	s0 =	simm.s32 @!p1 $0x0  }
0x14: {  	s2 =	sld [smem:$0x3F96];
	s0 =	simm.s32 @p1 $0x1  }
0x15: {  	[smem:$0x3FB3] =	sst s0;
	s0 =	simm.s32 @!p2 $0x0  }
0x16: {  	s3 =	sld [smem:$0x3FDB];
	s0 =	simm.s32 @p2 $0x1  }
0x17: {  	s4 =	simm.s32 $0x1BF5;
	[smem:$0x3FB5] =	sst s0  }
0x18: {  	s0 =	sld [smem:$0x3F98];
	_ =	swait.ge [sflag:s4], $0x0  }
0x19: {  	s7 =	sld [smem:$0x3F99]  }
0x1a: {  	s8 =	sadd.s32 $0xFFFFE003, lr  }
0x1b: {  	s9 =	sadd.s32 $0xFFFFFEF7, lr;
	s5 =	simm.s32 $0xFFFFFFFF;
	p2 =	slt.u32 s8, $0xFFFFF086  }
0x1c: {  	p1 =	slt.u32 s9, $0xF7A;
	s5 =	simm.s32 @!p2 $0x0  }
0x1d: {  	s5 =	simm.s32 @p1 $0x1;
	p0 =	seq.s32 s7, s2  }
0x1e: {  	s7 =	smul.u32 @!p0 $0xF7A, s2;
	p2 =	seq.s32 @!p0 s5, $0x0  }
0x1f: {  	s9 =	smul.u32 $0xF7A, s1;
	s8 =	simm.s32 @!p0 $0x1BF5;
	p2 =	por !p2, p0  }
0x20: {  	[sflag:s8] =	ssyncset.s32 @!p0 $0xFFFFF086;
	s6 =	sadd.s32 @!p0 s3, s7;
	s7 =	simm.s32 @!p0 $0x108  }
0x21: {  	s3 =	sadd.s32 s3, s9;
	s6 =	sadd.s32 @!p0 $0x88, s6;
	s7 =	simm.s32 @p2 $0x1082  }
0x22: {  	[simem:s7], [sflag:s8] =	dma.local @!p0 [hbm:s6], $0xF7A  }
0x23: {  	s9 =	sor.u32 $0xD0000000, s2;
	s6 =	simm.s32 $0x108;
	_ =	swait.ge @!p0 [sflag:s8], $0x0  }
0x24: {  	s3 =	sadd.s32 $0x88, s3;
	s6 =	simm.s32 @!p1 $0x1082;
	[sflag:s4] =	ssyncset.s32 $0xFFFFF086  }
0x25: {  	[simem:s6], [sflag:s4] =	dma.local [hbm:s3], $0xF7A  }
0x26: {  	[smem:$0x3F99] =	sst s1;
	(tag) =	ssettag s2;
	_ =	strace s9  }
0x27: {  	s1 =	sld [smem:$0x3FA9]  }
0x28: {  	s2 =	sld [smem:$0x3FAA]  }
0x29: {  	s4 =	sld [smem:$0x3FAC]  }
0x2a: {  	p0 =	seq.s32 s5, $0x0;
	s5 =	sld [smem:$0x3FAD]  }
0x2b: {  	s6 =	sld [smem:$0x3FAE]  }
0x2c: {  	s7 =	sld [smem:$0x3FAF]  }
0x2d: {  	s3 =	simm.s32 $0x108;
	s8 =	sld [smem:$0x3FB0]  }
0x2e: {  	s3 =	simm.s32 @!p0 $0x1082;
	s9 =	sld [smem:$0x3FB1]  }
0x2f: {  	lr =	sadd.s32 s0, s3;
	s0 =	sld [smem:$0x3FA8]  }
0x30: {  	s3 =	sld [smem:$0x3FAB]  }
0x31: {  	[smem:$0x3FB4] =	sst s10  }
0x32: {  	s10 =	sld [smem:$0x3FB2];
	_ =	sdelay $0x3  }
0x33: {  	p0 =	seq.s32 s10, $0x1;
	s10 =	sld [smem:$0x3FB4];
	_ =	sdelay $0x3  }
0x34: {  	[smem:$0x3FB4] =	sst s10  }
0x35: {  	s10 =	sld [smem:$0x3FB3];
	_ =	sdelay $0x3  }
0x36: {  	p1 =	seq.s32 s10, $0x1;
	s10 =	sld [smem:$0x3FB4];
	_ =	sdelay $0x3  }
0x37: {  	[smem:$0x3FB4] =	sst s10  }
0x38: {  	s10 =	sld [smem:$0x3FB5]  }
0x39: {  	_ = 	snop;
	(pc) =	sbr.ind lr, $3  }
0x3a: {  	_ = 	snop  }
0x3b: {  	_ = 	snop  }
0x3c: {  	p2 =	seq.s32 s10, $0x1;
	s10 =	sld [smem:$0x3FB4]  }
0x3d: {  	_ =	shalt  }
0x3e: {  	_ =	shalt  }
0x3f: {  	_ =	shalt  }
0x40: {  	_ =	shalt  }
0x41: {  	_ =	shalt  }
0x42: {  	_ =	shalt  }
0x43: {  	_ =	shalt  }
0x44: {  	_ =	shalt  }
0x45: {  	_ =	shalt  }
0x46: {  	_ =	shalt  }
0x47: {  	_ =	shalt  }
0x48: {  	_ =	shalt  }
0x49: {  	_ =	shalt  }
0x4a: {  	_ =	shalt  }
0x4b: {  	_ =	shalt  }
0x4c: {  	_ =	shalt  }
0x4d: {  	_ =	shalt  }
0x4e: {  	_ =	shalt  }
0x4f: {  	_ =	shalt  }
0x50: {  	_ =	shalt  }
0x51: {  	_ =	shalt  }
0x52: {  	_ =	shalt  }
0x53: {  	_ =	shalt  }
0x54: {  	_ =	shalt  }
0x55: {  	_ =	shalt  }
0x56: {  	_ =	shalt  }
0x57: {  	_ =	shalt  }
0x58: {  	_ =	shalt  }
0x59: {  	_ =	shalt  }
0x5a: {  	_ =	shalt  }
0x5b: {  	_ =	shalt  }
0x5c: {  	_ =	shalt  }
0x5d: {  	_ =	shalt  }
0x5e: {  	_ =	shalt  }
0x5f: {  	_ =	shalt  }
0x60: {  	_ =	shalt  }
0x61: {  	_ =	shalt  }
0x62: {  	_ =	shalt  }
0x63: {  	_ =	shalt  }
0x64: {  	_ =	shalt  }
0x65: {  	_ =	shalt  }
0x66: {  	_ =	shalt  }
0x67: {  	_ =	shalt  }
0x68: {  	_ =	shalt  }
0x69: {  	_ =	shalt  }
0x6a: {  	_ =	shalt  }
0x6b: {  	_ =	shalt  }
0x6c: {  	_ =	shalt  }
0x6d: {  	_ =	shalt  }
0x6e: {  	_ =	shalt  }
0x6f: {  	_ =	shalt  }
0x70: {  	_ =	shalt  }
0x71: {  	_ =	shalt  }
0x72: {  	_ =	shalt  }
0x73: {  	_ =	shalt  }
0x74: {  	_ =	shalt  }
0x75: {  	_ =	shalt  }
0x76: {  	_ =	shalt  }
0x77: {  	_ =	shalt  }
0x78: {  	_ =	shalt  }
0x79: {  	_ =	shalt  }
0x7a: {  	_ =	shalt  }
0x7b: {  	_ =	shalt  }
0x7c: {  	_ =	shalt  }
0x7d: {  	_ =	shalt  }
0x7e: {  	_ =	shalt  }
0x7f: {  	_ =	shalt  }
0x80: {  	_ =	shalt  }
0x81: {  	_ =	shalt  }
0x82: {  	_ =	shalt  }
0x83: {  	_ =	shalt  }
0x84: {  	_ =	shalt  }
0x85: {  	_ =	shalt  }
0x86: {  	_ =	shalt  }
0x87: {  	_ =	shalt  }
.Lfunc_end0:
.L_simem_size_0:
called_computation.2_lowered:
.L_overlay_start_0:
0x88: {  	s2 =	sld [smem:$0x3FD9]  }
0x89: {  	s3 =	sld [smem:$0x3FFE];
	_ =	sdelay $0x1  }
0x8a: {  	s1 =	srdreg.scid  }
0x8b: {  	s0 =	sand.u32 $0x1, s1  }
0x8c: {  	s14 =	sshll.u32 s0, $0xA;
	s2 =	sadd.s32 s3, s2  }
0x8d: {  	s2 =	sadd.s32 s2, s14  }
0x8e: {  	[smem:$0x3FC0] =	sst s2  }
0x8f: {  	_ = 	snop  }
0x90: {  	s2 =	sld [smem:$0x3FD0];
	_ =	sdelay $0x2  }
0x91: {  	s15 =	simm.s32 $0xA;
	s4 =	simm.s32 $0x10  }
0x92: {  	[smem:s4], [sflag:s15] =	dma.local [hbm:s2], $0x1  }
0x93: {  	_ =	swait.eq [sflag:s15], $0x1  }
0x94: {  	s16 =	sld [smem:$0x10];
	[sflag:s15] =	ssyncset.done $0x0  }
0x95: {  	s17 =	sld [smem:$0x12];
	[sflag:s15] =	ssyncadd.s32 $0xFFFFFFFF  }
0x96: {  	s18 =	sld [smem:$0x13];
	(tm) =	ssettm $0x1  }
0x97: {  	s5 =	sld [smem:$0x3FFB];
	_ =	sdelay $0x3  }
0x98: {  	_ =	strace s5  }
0x99: {  	s5 =	sld [smem:$0x3FFC];
	_ =	sdelay $0x3  }
0x9a: {  	_ =	strace s5  }
0x9b: {  	s5 =	sld [smem:$0x3FFD];
	_ =	sdelay $0x3  }
0x9c: {  	_ =	strace s5  }
0x9d: {  	_ =	strace $0x8FFFFFFF  }
0x9e: {  	s19 =	sld [smem:$0x3FDB];
	_ =	sdelay $0x1  }
0x9f: {  	s6 =	simm.s32 $_scs_section_size  }
0xa0: {  	s7 =	simm.s32 $_size__tile_overlayer_lowered;
	s8 =	simm.s32 $_tile_overlayer_lowered  }
0xa1: {  	s22 =	simm.s32 $0x1BFF;
	s21 =	sshll.u32 s8, $0x1;
	s5 =	sadd.s32 s6, s19  }
0xa2: {  	s9 =	simm.s32 $0x0;
	s20 =	sshll.u32 s7, $0x1;
	s7 =	sadd.s32 s21, s5  }
0xa3: {  	[timem:s9], [sflag:s22] =	dma.local [hbm:s7], s20  }
0xa4: {  	_ =	swait.ge [sflag:s22], s20  }
0xa5: {  	s6 =	ssub.s32 $0x0, s20;
	[sflag:s22] =	ssyncset.done $0x0  }
0xa6: {  	[sflag:s22] =	ssyncadd.s32 s6;
	_ =	sdelay $0x1  }
0xa7: {  	s23 =	simm.s32 $0x1B8B  }
0xa8: {  	_ =	swait.ge [sflag:s23], $0x1  }
0xa9: {  	[sflag:s23] =	ssyncset.done $0x0  }
0xaa: {  	s25 =	simm.s32 $0x1B8E;
	s24 =	sld [smem:$0x3FFE];
	[sflag:s23] =	ssyncadd.s32 $0xFFFFFFFF  }
0xab: {  	s26 =	simm.s32 $execute0_lowered;
	[smem:$0x3FD2] =	sst s25  }
0xac: {  	s7 =	sshll.u32 s26, $0x1;
	_ =	strace $0x8000004C;
	[dreg:$0x1] =	wrdreg $0xFFFFFFFF  }
0xad: {  	s28 =	simm.s32 $_size_execute0_lowered;
	s5 =	sadd.s32 s5, s7;
	[dreg:$0x0] =	wrdreg $0x0  }
0xae: {  	s7 =	sshll.u32 s28, $0x1;
	[dreg:$0x2] =	wrdreg s5  }
0xaf: {  	[dreg:$0x3] =	wrdreg s7  }
0xb0: {  	[dreg:$0x4] =	wrdreg $0xC0  }
0xb1: {  	_ =	task [dreg:s9], $0x5FFFF  }
0xb2: {  	[dreg:$0x1] =	wrdreg $0xFFFFFFFF  }
0xb3: {  	[dreg:$0x0] =	wrdreg $0x60  }
0xb4: {  	[dreg:$0x2] =	wrdreg s24  }
0xb5: {  	[dreg:$0x3] =	wrdreg s18  }
0xb6: {  	[dreg:$0x4] =	wrdreg s17  }
0xb7: {  	[dreg:$0x5] =	wrdreg s16  }
0xb8: {  	[dreg:$0x6] =	wrdreg $0xBC000  }
0xb9: {  	[dreg:$0x7] =	wrdreg $0x9  }
0xba: {  	_ =	task.clear_ibuf [dreg:s9], $0x8FFFF;
	_ =	strace $0x9000004C  }
0xbb: {  	s29 =	simm.s32 $0x9;
	_ =	strace $0x8000004E  }
0xbc: {  	_ =	swait.ge [sflag:s29], $0x1  }
0xbd: {  	[sflag:s29] =	ssyncadd.s32 $0xFFFFFFFF  }
0xbe: {  	_ =	strace $0x9000004E  }
0xbf: {  	_ =	sfence  }
0xc0: {  	s30 =	sld [smem:$0x0];
	_ =	sdelay $0x2  }
0xc1: {  	s31 =	sshll.u32 s1, $0xD;
	s1 =	sshrl.u32 s1, $0x2  }
0xc2: {  	s3 =	sand.u32 $0x4000, s31;
	s1 =	sadd.s32 s1, s30  }
0xc3: {  	s0 =	sor.u32 s3, s0;
	s1 =	sshll.u32 s1, $0x11  }
0xc4: {  	s0 =	sor.u32 s1, s0  }
0xc5: {  	s0 =	sadd.s32 $0x8F2B, s0  }
0xc6: {  	[sflag:s0] =	ssyncadd.remote.s32 $0x1  }
0xc7: {  	_ =	sfence.sel $0xFFFF  }
0xc8: {  	[dreg:$0x0] =	wrdreg $0xFFFFFFFF;
	(pc) =	sbr.abs _section_cstart, $3  }
0xc9: {  	[dreg:$0x1] =	wrdreg $0xFFFFFFFF  }
0xca: {  	_ =	task.clear_ibuf [dreg:s9], $0x2FFFF;
	_ =	strace $0x9FFFFFFF  }
0xcb: {  	(tm) =	ssettm $0x7FFFFFFF  }
tec
execute0_lowered:
.L_overlay_start_1:
0x0: {  	(tag) =	ssettag $0x1  }
0x1: {  	s4 =	rddreg [dreg:$0x0]  }
0x2: {  	s6 =	rddreg [dreg:$0x1]  }
0x3: {  	s7 =	rddreg [dreg:$0x2]  }
0x4: {  	s9 =	rddreg [dreg:$0x3]  }
0x5: {  	s0 =	srdreg.scid;
	s2 =	rddreg [dreg:$0x4];
	s15 =	simm.s32 $0x3C00  }
0x6: {  	s16 =	simm.s32 $0x3;
	s17 =	simm.s32 $0x1400;
	s18 =	simm.s32 $0x80  }
0x7: {  	s19 =	simm.s32 $0x1;
	s20 =	simm.s32 $0x7C00;
	s21 =	simm.s32 $0x2  }
0x8: {  	s22 =	simm.s32 $0x1380;
	s23 =	simm.s32 $0x2700;
	s24 =	simm.s32 $0x2780  }
0x9: {  	s25 =	simm.s32 $0x3B00;
	s5 =	sand.u32 $0x1, s0;
	s0 =	stileid.u32  }
0xa: {  	s26 =	simm.s32 $0x3B80;
	s28 =	simm.s32 $0x0;
	s8 =	smul.u32 $0x50000, s0  }
0xb: {  	s1 =	sshll.u32 s5, $0x4;
	s11 =	ssub.s32 $0x2, s5;
	s5 =	smul.u32 $0x140000, s5  }
0xc: {  	s4 =	sadd.s32 $0x53200, s4;
	s13 =	smul.u32 $0x14000, s0;
	s3 =	sor.u32 s0, s1  }
0xd: {  	s1 =	rddreg [dreg:$0x5];
	s12 =	sshrl.u32 s11, $0x1;
	s10 =	smul.u32 $0x2800, s3  }
0xe: {  	s3 =	simm.s32 $0x0;
	s11 =	ssub.s32 s11, s12;
	s8 =	sshrl.u32 s8, $0x2  }
0xf: {  	s31 =	sadd.s32 s13, s5;
	[smem:$0x7FF] =	sst s3;
	s5 =	sadd.s32 s8, s2  }
0x10: {  	s12 =	sshrl.u32 s31, $0x3;
	_ =	strace $0x8000004D;
	s10 =	sshrl.u32 s10, $0x3  }
0x11: {  	s9 =	sadd.s32 s9, s12;
	s12 =	sadd.s32 $0x8000, s5;
	s13 =	sadd.s32 $0xC000, s5  }
0x12: {  	s14 =	sadd.s32 $0x10000, s5;
	s6 =	sadd.s32 s6, s10;
	s7 =	sadd.s32 s7, s10  }
0x13: {  	v0 =	vimm.f32 $0.0e+00;
	s10 =	smax.u32 s11, $0x1;
	s11 =	sadd.s32 $0x4000, s5;
	s8 =	sadd.s32 $0x280, s6  }
.LBB2_1:
0x14: {  	s29 =	simm.s32 $0x0;
	s30 =	simm.s32 $0x200  }
.LBB2_2:
0x15: {  	p0 =	sne.s32 s30, $0xFE00;
	[tilespmem:s29+$0x3C70] =	vst v0  }
0x16: {  	[tilespmem:s29+$0x3C00] =	vst v0  }
0x17: {  	[tilespmem:s29+$0x3C10] =	vst v0  }
.Ltmp0:
0x18: {  	[tilespmem:s29+$0x3C20] =	vst v0;
	(pc) =	sbr.rel @p0 .LBB2_2-.Ltmp0, $4  }
0x19: {  	[tilespmem:s29+$0x3C30] =	vst v0  }
0x1a: {  	[tilespmem:s29+$0x3C40] =	vst v0  }
0x1b: {  	[tilespmem:s29+$0x3C50] =	vst v0  }
0x1c: {  	[tilespmem:s29+$0x3C60] =	vst v0;
	s29 =	sshra.s32 s30, $0x2;
	s30 =	sadd.s32 $0x200, s30  }
0x1d: {  	[tilespmem:s29+$0x3C70] =	vst v0  }
0x1e: {  	[tilespmem:s29+$0x3C00] =	vst v0  }
0x1f: {  	[tilespmem:s29+$0x3C10] =	vst v0  }
0x20: {  	[tilespmem:s29+$0x3C20] =	vst v0  }
0x21: {  	[tilespmem:s29+$0x3C30] =	vst v0  }
0x22: {  	[tilespmem:s29+$0x3C40] =	vst v0  }
0x23: {  	[tilespmem:s29+$0x3C50] =	vst v0  }
0x24: {  	[tilespmem:s29+$0x3C60] =	vst v0  }
0x25: {  	[spmem:s5] =	stream.linear.scatter [tilespmem:s15], [sflag:$0x3], $0x4000, $0x38;
	[tilespmem:$0x1FC00] =	vst v63  }
0x26: {  	_ =	swait.ge [sflag:s16], $0x4000  }
0x27: {  	[sflag:s16] =	ssyncset.done $0x0  }
0x28: {  	[sflag:s16] =	ssyncadd.s32 $0xFFFFC000  }
0x29: {  	[spmem:s11] =	stream.linear.scatter [tilespmem:s15], [sflag:$0x3], $0x4000, $0x38;
	[tilespmem:$0x1FC00] =	vst v63  }
0x2a: {  	_ =	swait.ge [sflag:s16], $0x4000  }
0x2b: {  	[sflag:s16] =	ssyncset.done $0x0  }
0x2c: {  	[sflag:s16] =	ssyncadd.s32 $0xFFFFC000  }
0x2d: {  	[spmem:s12] =	stream.linear.scatter [tilespmem:s15], [sflag:$0x3], $0x4000, $0x38;
	[tilespmem:$0x1FC00] =	vst v63  }
0x2e: {  	_ =	swait.ge [sflag:s16], $0x4000  }
0x2f: {  	[sflag:s16] =	ssyncset.done $0x0  }
0x30: {  	[sflag:s16] =	ssyncadd.s32 $0xFFFFC000  }
0x31: {  	[spmem:s13] =	stream.linear.scatter [tilespmem:s15], [sflag:$0x3], $0x4000, $0x38;
	[tilespmem:$0x1FC00] =	vst v63  }
0x32: {  	_ =	swait.ge [sflag:s16], $0x4000  }
0x33: {  	[sflag:s16] =	ssyncset.done $0x0  }
0x34: {  	[sflag:s16] =	ssyncadd.s32 $0xFFFFC000  }
0x35: {  	[spmem:s14] =	stream.linear.scatter [tilespmem:s15], [sflag:$0x3], $0x4000, $0x38;
	[tilespmem:$0x1FC00] =	vst v63  }
0x36: {  	_ =	swait.ge [sflag:s16], $0x4000  }
0x37: {  	[sflag:s16] =	ssyncset.done $0x0  }
0x38: {  	[sflag:s16] =	ssyncadd.s32 $0xFFFFC000  }
0x39: {  	s29 =	simm.s32 $0x0;
	[bflag:$0x0] =	sbarrier.arrive $0xFFFF  }
0x3a: {  	[tilespmem:s17], [sflag:$0x3] =	stream.linear.gather [hbm4b:s7+s29], $0x2800, $0x38;
	[tilespmem:$0x1FC00] =	vst v63  }
0x3b: {  	_ =	swait.ge [sflag:s16], $0x2800  }
0x3c: {  	[sflag:s16] =	ssyncset.done $0x0  }
0x3d: {  	[sflag:s16] =	ssyncadd.s32 $0xFFFFD800  }
0x3e: {  	[tilespmem:s29], [sflag:$0x3] =	stream.linear.gather [hbm4b:s6+s29], $0x1400, $0x38;
	[tilespmem:$0x1FC00] =	vst v63  }
0x3f: {  	_ =	swait.ge [sflag:s16], $0x1400  }
0x40: {  	[sflag:s16] =	ssyncset.done $0x0  }
0x41: {  	[sflag:s16] =	ssyncadd.s32 $0xFFFFEC00  }
0x42: {  	[tilespmem:s15], [sflag:$0x1] =	stream.indirect.gather [hbm4b:s4+s18], $0x80, s29, s18, $0xb8;
	[tilespmem:$0x1FC00] =	vst v63  }
0x43: {  	_ =	swait.ge [sflag:s19], $0x4000  }
0x44: {  	[sflag:s19] =	ssyncset.done $0x0  }
0x45: {  	s29 =	simm.s32 $0x80;
	[sflag:s19] =	ssyncadd.s32 $0xFFFFC000  }
0x46: {  	[tilespmem:s20], [sflag:$0x2] =	stream.indirect.gather [hbm4b:s4+s18], $0x80, s29, s18, $0xb8;
	[tilespmem:$0x1FC00] =	vst v63  }
0x47: {  	s29 =	simm.s32 $0x1400  }
0x48: {  	[spmem:s2] =	stream.indirect.scatter.add.f32 [tilespmem:s15], [sflag:$0x3], $0x80, s29, s18, $0xb8;
	[tilespmem:$0x1FC00] =	vst v63  }
0x49: {  	_ =	swait.ge [sflag:s16], $0x4000  }
0x4a: {  	[sflag:s16] =	ssyncset.done $0x0  }
0x4b: {  	[sflag:s16] =	ssyncadd.s32 $0xFFFFC000  }
0x4c: {  	_ =	swait.ge [sflag:s21], $0x4000  }
0x4d: {  	[sflag:s21] =	ssyncset.done $0x0  }
0x4e: {  	s29 =	simm.s32 $0x100;
	[sflag:s21] =	ssyncadd.s32 $0xFFFFC000  }
0x4f: {  	[tilespmem:s15], [sflag:$0x1] =	stream.indirect.gather [hbm4b:s4+s18], $0x80, s29, s18, $0xb8;
	[tilespmem:$0x1FC00] =	vst v63  }
0x50: {  	s29 =	simm.s32 $0x1480  }
0x51: {  	[spmem:s2] =	stream.indirect.scatter.add.f32 [tilespmem:s20], [sflag:$0x3], $0x80, s29, s18, $0xb8;
	[tilespmem:$0x1FC00] =	vst v63  }
0x52: {  	_ =	swait.ge [sflag:s16], $0x4000  }
0x53: {  	s29 =	simm.s32 $0x400;
	[sflag:s16] =	ssyncset.done $0x0  }
.LBB2_4:
0x54: {  	p0 =	sne.s32 s29, $0x4800  }
0x55: {  	[sflag:s16] =	ssyncadd.s32 $0xFFFFC000;
	s30 =	smov.u32 s29;
	s29 =	sadd.s32 $0x400, s29  }
0x56: {  	_ = 	snop  }
0x57: {  	_ =	swait.ge [sflag:s19], $0x4000  }
0x58: {  	s30 =	sshra.s32 s30, $0x2;
	[sflag:s19] =	ssyncset.done $0x0  }
0x59: {  	s31 =	sadd.s32 $0x80, s30;
	[sflag:s19] =	ssyncadd.s32 $0xFFFFC000  }
0x5a: {  	[tilespmem:s20], [sflag:$0x2] =	stream.indirect.gather [hbm4b:s4+s18], $0x80, s31, s18, $0xb8;
	[tilespmem:$0x1FC00] =	vst v63  }
0x5b: {  	s31 =	sadd.s32 $0x1400, s30  }
0x5c: {  	[spmem:s2] =	stream.indirect.scatter.add.f32 [tilespmem:s15], [sflag:$0x3], $0x80, s31, s18, $0xb8;
	[tilespmem:$0x1FC00] =	vst v63  }
0x5d: {  	_ =	swait.ge [sflag:s16], $0x4000  }
0x5e: {  	[sflag:s16] =	ssyncset.done $0x0  }
0x5f: {  	[sflag:s16] =	ssyncadd.s32 $0xFFFFC000  }
0x60: {  	_ =	swait.ge [sflag:s21], $0x4000  }
0x61: {  	[sflag:s21] =	ssyncset.done $0x0  }
0x62: {  	s31 =	sadd.s32 $0x100, s30;
	[sflag:s21] =	ssyncadd.s32 $0xFFFFC000  }
0x63: {  	[tilespmem:s15], [sflag:$0x1] =	stream.indirect.gather [hbm4b:s4+s18], $0x80, s31, s18, $0xb8;
	[tilespmem:$0x1FC00] =	vst v63  }
.Ltmp1:
0x64: {  	_ = 	snop;
	(pc) =	sbr.rel @p0 .LBB2_4-.Ltmp1, $4  }
0x65: {  	s30 =	sadd.s32 $0x1480, s30  }
0x66: {  	[spmem:s2] =	stream.indirect.scatter.add.f32 [tilespmem:s20], [sflag:$0x3], $0x80, s30, s18, $0xb8;
	[tilespmem:$0x1FC00] =	vst v63  }
0x67: {  	_ =	swait.ge [sflag:s16], $0x4000  }
0x68: {  	[sflag:s16] =	ssyncset.done $0x0  }
0x69: {  	[sflag:s16] =	ssyncadd.s32 $0xFFFFC000  }
0x6a: {  	_ =	swait.ge [sflag:s19], $0x4000  }
0x6b: {  	[sflag:s19] =	ssyncset.done $0x0  }
0x6c: {  	[sflag:s19] =	ssyncadd.s32 $0xFFFFC000  }
0x6d: {  	[tilespmem:s20], [sflag:$0x2] =	stream.indirect.gather [hbm4b:s4+s18], $0x80, s22, s18, $0xb8;
	[tilespmem:$0x1FC00] =	vst v63  }
0x6e: {  	_ = 	snop  }
0x6f: {  	[spmem:s2] =	stream.indirect.scatter.add.f32 [tilespmem:s15], [sflag:$0x3], $0x80, s23, s18, $0xb8;
	[tilespmem:$0x1FC00] =	vst v63  }
0x70: {  	_ =	swait.ge [sflag:s16], $0x4000  }
0x71: {  	[sflag:s16] =	ssyncset.done $0x0  }
0x72: {  	[sflag:s16] =	ssyncadd.s32 $0xFFFFC000  }
0x73: {  	_ =	swait.ge [sflag:s21], $0x4000  }
0x74: {  	[sflag:s21] =	ssyncset.done $0x0  }
0x75: {  	[sflag:s21] =	ssyncadd.s32 $0xFFFFC000  }
0x76: {  	[spmem:s2] =	stream.indirect.scatter.add.f32 [tilespmem:s20], [sflag:$0x3], $0x80, s24, s18, $0xb8;
	[tilespmem:$0x1FC00] =	vst v63  }
0x77: {  	_ =	swait.ge [sflag:s16], $0x4000  }
0x78: {  	[sflag:s16] =	ssyncset.done $0x0  }
0x79: {  	[sflag:s16] =	ssyncadd.s32 $0xFFFFC000  }
0x7a: {  	[tilespmem:s3], [sflag:$0x3] =	stream.linear.gather [hbm4b:s8+s3], $0x1400, $0x38;
	[tilespmem:$0x1FC00] =	vst v63  }
0x7b: {  	_ =	swait.ge [sflag:s16], $0x1400  }
0x7c: {  	[sflag:s16] =	ssyncset.done $0x0  }
0x7d: {  	[sflag:s16] =	ssyncadd.s32 $0xFFFFEC00  }
0x7e: {  	[tilespmem:s15], [sflag:$0x1] =	stream.indirect.gather [hbm4b:s4+s18], $0x80, s3, s18, $0xb8;
	[tilespmem:$0x1FC00] =	vst v63  }
0x7f: {  	_ =	swait.ge [sflag:s19], $0x4000  }
0x80: {  	[sflag:s19] =	ssyncset.done $0x0  }
0x81: {  	s29 =	simm.s32 $0x80;
	[sflag:s19] =	ssyncadd.s32 $0xFFFFC000  }
0x82: {  	[tilespmem:s20], [sflag:$0x2] =	stream.indirect.gather [hbm4b:s4+s18], $0x80, s29, s18, $0xb8;
	[tilespmem:$0x1FC00] =	vst v63  }
0x83: {  	s29 =	simm.s32 $0x2800  }
0x84: {  	[spmem:s2] =	stream.indirect.scatter.add.f32 [tilespmem:s15], [sflag:$0x3], $0x80, s29, s18, $0xb8;
	[tilespmem:$0x1FC00] =	vst v63  }
0x85: {  	_ =	swait.ge [sflag:s16], $0x4000  }
0x86: {  	[sflag:s16] =	ssyncset.done $0x0  }
0x87: {  	[sflag:s16] =	ssyncadd.s32 $0xFFFFC000  }
0x88: {  	_ =	swait.ge [sflag:s21], $0x4000  }
0x89: {  	[sflag:s21] =	ssyncset.done $0x0  }
0x8a: {  	s29 =	simm.s32 $0x100;
	[sflag:s21] =	ssyncadd.s32 $0xFFFFC000  }
0x8b: {  	[tilespmem:s15], [sflag:$0x1] =	stream.indirect.gather [hbm4b:s4+s18], $0x80, s29, s18, $0xb8;
	[tilespmem:$0x1FC00] =	vst v63  }
0x8c: {  	s29 =	simm.s32 $0x2880  }
0x8d: {  	[spmem:s2] =	stream.indirect.scatter.add.f32 [tilespmem:s20], [sflag:$0x3], $0x80, s29, s18, $0xb8;
	[tilespmem:$0x1FC00] =	vst v63  }
0x8e: {  	_ =	swait.ge [sflag:s16], $0x4000  }
0x8f: {  	s29 =	simm.s32 $0xFFFFB800;
	[sflag:s16] =	ssyncset.done $0x0  }
.LBB2_6:
0x90: {  	p0 =	sne.s32 s29, $0xFFFFFC00  }
0x91: {  	[sflag:s16] =	ssyncadd.s32 $0xFFFFC000;
	s30 =	smov.u32 s29;
	s29 =	sadd.s32 $0x400, s29  }
0x92: {  	_ = 	snop  }
0x93: {  	_ =	swait.ge [sflag:s19], $0x4000  }
0x94: {  	s30 =	sshra.s32 s30, $0x2;
	[sflag:s19] =	ssyncset.done $0x0  }
0x95: {  	s31 =	sadd.s32 $0x1380, s30;
	[sflag:s19] =	ssyncadd.s32 $0xFFFFC000  }
0x96: {  	[tilespmem:s20], [sflag:$0x2] =	stream.indirect.gather [hbm4b:s4+s18], $0x80, s31, s18, $0xb8;
	[tilespmem:$0x1FC00] =	vst v63  }
0x97: {  	s31 =	sadd.s32 $0x3B00, s30  }
0x98: {  	[spmem:s2] =	stream.indirect.scatter.add.f32 [tilespmem:s15], [sflag:$0x3], $0x80, s31, s18, $0xb8;
	[tilespmem:$0x1FC00] =	vst v63  }
0x99: {  	_ =	swait.ge [sflag:s16], $0x4000  }
0x9a: {  	[sflag:s16] =	ssyncset.done $0x0  }
0x9b: {  	[sflag:s16] =	ssyncadd.s32 $0xFFFFC000  }
0x9c: {  	_ =	swait.ge [sflag:s21], $0x4000  }
0x9d: {  	[sflag:s21] =	ssyncset.done $0x0  }
0x9e: {  	s31 =	sadd.s32 $0x1400, s30;
	[sflag:s21] =	ssyncadd.s32 $0xFFFFC000  }
0x9f: {  	[tilespmem:s15], [sflag:$0x1] =	stream.indirect.gather [hbm4b:s4+s18], $0x80, s31, s18, $0xb8;
	[tilespmem:$0x1FC00] =	vst v63  }
.Ltmp2:
0xa0: {  	_ = 	snop;
	(pc) =	sbr.rel @p0 .LBB2_6-.Ltmp2, $4  }
0xa1: {  	s30 =	sadd.s32 $0x3B80, s30  }
0xa2: {  	[spmem:s2] =	stream.indirect.scatter.add.f32 [tilespmem:s20], [sflag:$0x3], $0x80, s30, s18, $0xb8;
	[tilespmem:$0x1FC00] =	vst v63  }
0xa3: {  	_ =	swait.ge [sflag:s16], $0x4000  }
0xa4: {  	[sflag:s16] =	ssyncset.done $0x0  }
0xa5: {  	[sflag:s16] =	ssyncadd.s32 $0xFFFFC000  }
0xa6: {  	_ =	swait.ge [sflag:s19], $0x4000  }
0xa7: {  	[sflag:s19] =	ssyncset.done $0x0  }
0xa8: {  	[sflag:s19] =	ssyncadd.s32 $0xFFFFC000  }
0xa9: {  	[tilespmem:s20], [sflag:$0x2] =	stream.indirect.gather [hbm4b:s4+s18], $0x80, s22, s18, $0xb8;
	[tilespmem:$0x1FC00] =	vst v63  }
0xaa: {  	_ = 	snop  }
0xab: {  	[spmem:s2] =	stream.indirect.scatter.add.f32 [tilespmem:s15], [sflag:$0x3], $0x80, s25, s18, $0xb8;
	[tilespmem:$0x1FC00] =	vst v63  }
0xac: {  	_ =	swait.ge [sflag:s16], $0x4000  }
0xad: {  	[sflag:s16] =	ssyncset.done $0x0  }
0xae: {  	[sflag:s16] =	ssyncadd.s32 $0xFFFFC000  }
0xaf: {  	_ =	swait.ge [sflag:s21], $0x4000  }
0xb0: {  	[sflag:s21] =	ssyncset.done $0x0  }
0xb1: {  	[sflag:s21] =	ssyncadd.s32 $0xFFFFC000  }
0xb2: {  	[spmem:s2] =	stream.indirect.scatter.add.f32 [tilespmem:s20], [sflag:$0x3], $0x80, s26, s18, $0xb8;
	[tilespmem:$0x1FC00] =	vst v63  }
0xb3: {  	_ =	swait.ge [sflag:s16], $0x4000  }
0xb4: {  	s29 =	sshll.u32 s0, $0x6;
	s28 =	sadd.s32 $0x1, s28;
	[sflag:s16] =	ssyncset.done $0x0  }
0xb5: {  	s30 =	sshrl.u32 s5, $0x3;
	p0 =	sne.s32 s28, s10;
	[sflag:s16] =	ssyncadd.s32 $0xFFFFC000  }
.Ltmp3:
0xb6: {  	s29 =	sor.u32 $0x1C03, s29;
	[bflag:$0x0] =	sbarrier.arrive $0xFFFF;
	(pc) =	sbr.rel @p0 .LBB2_1-.Ltmp3, $4  }
0xb7: {  	[hbm:s9], [sflag:s29] =	dma.local [spmem:s30], $0x2800  }
0xb8: {  	_ =	swait.ge [sflag:s16], $0x2800  }
0xb9: {  	[sflag:s16] =	ssyncset.done $0x0  }
0xba: {  	[sflag:s16] =	ssyncadd.s32 $0xFFFFD800  }
0xbb: {  	_ =	sfence.sel $0x180000  }
0xbc: {  	[bflag:$0x0] =	sbarrier.arrive $0xFFFF  }
0xbd: {  	p0 =	sne.s32 s0, $0x0;
	_ =	strace $0x9000004D  }
0xbe: {  	s0 =	sadd.s32 @!p0 $0x100000, s1;
	[bflag:$0x2] =	sbarrier.arrive $0xFFFF  }
0xbf: {  	[sflag:s0] =	ssyncadd.tile.s32 @!p0 $0x1;
	_ =	shalt  }
.Lfunc_end2:
_tile_overlayer_lowered:
.L_overlay_start_2:
0xc0: {  	(tag) =	ssettag $0x2  }
0xc1: {  	s0 =	rddreg [dreg:$0x0];
	s2 =	stileid.u32  }
0xc2: {  	s1 =	rddreg [dreg:$0x1];
	p0 =	sne.s32 s2, $0x0  }
0xc3: {  	s3 =	rddreg [dreg:$0x2];
	[bflag:$0x3] =	sbarrier.arrive $0xFFFF;
	s2 =	simm.s32 @!p0 $0x1C03  }
0xc4: {  	[timem:s3], [sflag:s2] =	dma.local @!p0 [hbm:s0], s1  }
0xc5: {  	s0 =	simm.s32 @!p0 $0x3  }
0xc6: {  	_ =	swait.ge @!p0 [sflag:s0], s1  }
0xc7: {  	s1 =	ssub.s32 @!p0 $0x0, s1;
	[sflag:s0] =	ssyncset.done @!p0 $0x0  }
0xc8: {  	[sflag:s0] =	ssyncadd.s32 @!p0 s1  }
0xc9: {  	[bflag:$0x3] =	sbarrier.arrive $0xFFFF  }
0xca: {  	_ =	shalt  }

// kernel: kernel.9.cloned.1.call-start
scs
__scs_entry_jumppad:
0x0: {  	(pc) =	sbr.rel $0x88, $3  }
0x1: {  	(tag) =	ssettag $0x0;
	lr =	simm.s32 $0x1  }
0x2: {  	[smem:$0x3F99] =	sst lr;
	_ =	strace $0xD0000000  }
0x3: {  	_ = 	snop  }
0x4: {  	_ = 	snop  }
0x5: {  	_ = 	snop  }
0x6: {  	_ = 	snop  }
0x7: {  	_ = 	snop  }
__scs_overlays_trampoline_lowered:
0x8: {  	[smem:$0x3FA8] =	sst s0  }
0x9: {  	[smem:$0x3FA9] =	sst s1  }
0xa: {  	[smem:$0x3FAA] =	sst s2  }
0xb: {  	[smem:$0x3FAB] =	sst s3  }
0xc: {  	[smem:$0x3FAC] =	sst s4  }
0xd: {  	[smem:$0x3FAD] =	sst s5  }
0xe: {  	[smem:$0x3FAE] =	sst s6  }
0xf: {  	[smem:$0x3FAF] =	sst s7  }
0x10: {  	[smem:$0x3FB0] =	sst s8  }
0x11: {  	[smem:$0x3FB1] =	sst s9;
	s0 =	simm.s32 @!p0 $0x0  }
0x12: {  	s1 =	sld [smem:$0x3F97];
	s0 =	simm.s32 @p0 $0x1  }
0x13: {  	[smem:$0x3FB2] =	sst s0;
	s0 =	simm.s32 @!p1 $0x0  }
0x14: {  	s2 =	sld [smem:$0x3F96];
	s0 =	simm.s32 @p1 $0x1  }
0x15: {  	[smem:$0x3FB3] =	sst s0;
	s0 =	simm.s32 @!p2 $0x0  }
0x16: {  	s3 =	sld [smem:$0x3FDB];
	s0 =	simm.s32 @p2 $0x1  }
0x17: {  	s4 =	simm.s32 $0x1BF5;
	[smem:$0x3FB5] =	sst s0  }
0x18: {  	s0 =	sld [smem:$0x3F98];
	_ =	swait.ge [sflag:s4], $0x0  }
0x19: {  	s7 =	sld [smem:$0x3F99]  }
0x1a: {  	s8 =	sadd.s32 $0xFFFFE003, lr  }
0x1b: {  	s9 =	sadd.s32 $0xFFFFFEF7, lr;
	s5 =	simm.s32 $0xFFFFFFFF;
	p2 =	slt.u32 s8, $0xFFFFF086  }
0x1c: {  	p1 =	slt.u32 s9, $0xF7A;
	s5 =	simm.s32 @!p2 $0x0  }
0x1d: {  	s5 =	simm.s32 @p1 $0x1;
	p0 =	seq.s32 s7, s2  }
0x1e: {  	s7 =	smul.u32 @!p0 $0xF7A, s2;
	p2 =	seq.s32 @!p0 s5, $0x0  }
0x1f: {  	s9 =	smul.u32 $0xF7A, s1;
	s8 =	simm.s32 @!p0 $0x1BF5;
	p2 =	por !p2, p0  }
0x20: {  	[sflag:s8] =	ssyncset.s32 @!p0 $0xFFFFF086;
	s6 =	sadd.s32 @!p0 s3, s7;
	s7 =	simm.s32 @!p0 $0x108  }
0x21: {  	s3 =	sadd.s32 s3, s9;
	s6 =	sadd.s32 @!p0 $0x88, s6;
	s7 =	simm.s32 @p2 $0x1082  }
0x22: {  	[simem:s7], [sflag:s8] =	dma.local @!p0 [hbm:s6], $0xF7A  }
0x23: {  	s9 =	sor.u32 $0xD0000000, s2;
	s6 =	simm.s32 $0x108;
	_ =	swait.ge @!p0 [sflag:s8], $0x0  }
0x24: {  	s3 =	sadd.s32 $0x88, s3;
	s6 =	simm.s32 @!p1 $0x1082;
	[sflag:s4] =	ssyncset.s32 $0xFFFFF086  }
0x25: {  	[simem:s6], [sflag:s4] =	dma.local [hbm:s3], $0xF7A  }
0x26: {  	[smem:$0x3F99] =	sst s1;
	(tag) =	ssettag s2;
	_ =	strace s9  }
0x27: {  	s1 =	sld [smem:$0x3FA9]  }
0x28: {  	s2 =	sld [smem:$0x3FAA]  }
0x29: {  	s4 =	sld [smem:$0x3FAC]  }
0x2a: {  	p0 =	seq.s32 s5, $0x0;
	s5 =	sld [smem:$0x3FAD]  }
0x2b: {  	s6 =	sld [smem:$0x3FAE]  }
0x2c: {  	s7 =	sld [smem:$0x3FAF]  }
0x2d: {  	s3 =	simm.s32 $0x108;
	s8 =	sld [smem:$0x3FB0]  }
0x2e: {  	s3 =	simm.s32 @!p0 $0x1082;
	s9 =	sld [smem:$0x3FB1]  }
0x2f: {  	lr =	sadd.s32 s0, s3;
	s0 =	sld [smem:$0x3FA8]  }
0x30: {  	s3 =	sld [smem:$0x3FAB]  }
0x31: {  	[smem:$0x3FB4] =	sst s10  }
0x32: {  	s10 =	sld [smem:$0x3FB2];
	_ =	sdelay $0x3  }
0x33: {  	p0 =	seq.s32 s10, $0x1;
	s10 =	sld [smem:$0x3FB4];
	_ =	sdelay $0x3  }
0x34: {  	[smem:$0x3FB4] =	sst s10  }
0x35: {  	s10 =	sld [smem:$0x3FB3];
	_ =	sdelay $0x3  }
0x36: {  	p1 =	seq.s32 s10, $0x1;
	s10 =	sld [smem:$0x3FB4];
	_ =	sdelay $0x3  }
0x37: {  	[smem:$0x3FB4] =	sst s10  }
0x38: {  	s10 =	sld [smem:$0x3FB5]  }
0x39: {  	_ = 	snop;
	(pc) =	sbr.ind lr, $3  }
0x3a: {  	_ = 	snop  }
0x3b: {  	_ = 	snop  }
0x3c: {  	p2 =	seq.s32 s10, $0x1;
	s10 =	sld [smem:$0x3FB4]  }
0x3d: {  	_ =	shalt  }
0x3e: {  	_ =	shalt  }
0x3f: {  	_ =	shalt  }
0x40: {  	_ =	shalt  }
0x41: {  	_ =	shalt  }
0x42: {  	_ =	shalt  }
0x43: {  	_ =	shalt  }
0x44: {  	_ =	shalt  }
0x45: {  	_ =	shalt  }
0x46: {  	_ =	shalt  }
0x47: {  	_ =	shalt  }
0x48: {  	_ =	shalt  }
0x49: {  	_ =	shalt  }
0x4a: {  	_ =	shalt  }
0x4b: {  	_ =	shalt  }
0x4c: {  	_ =	shalt  }
0x4d: {  	_ =	shalt  }
0x4e: {  	_ =	shalt  }
0x4f: {  	_ =	shalt  }
0x50: {  	_ =	shalt  }
0x51: {  	_ =	shalt  }
0x52: {  	_ =	shalt  }
0x53: {  	_ =	shalt  }
0x54: {  	_ =	shalt  }
0x55: {  	_ =	shalt  }
0x56: {  	_ =	shalt  }
0x57: {  	_ =	shalt  }
0x58: {  	_ =	shalt  }
0x59: {  	_ =	shalt  }
0x5a: {  	_ =	shalt  }
0x5b: {  	_ =	shalt  }
0x5c: {  	_ =	shalt  }
0x5d: {  	_ =	shalt  }
0x5e: {  	_ =	shalt  }
0x5f: {  	_ =	shalt  }
0x60: {  	_ =	shalt  }
0x61: {  	_ =	shalt  }
0x62: {  	_ =	shalt  }
0x63: {  	_ =	shalt  }
0x64: {  	_ =	shalt  }
0x65: {  	_ =	shalt  }
0x66: {  	_ =	shalt  }
0x67: {  	_ =	shalt  }
0x68: {  	_ =	shalt  }
0x69: {  	_ =	shalt  }
0x6a: {  	_ =	shalt  }
0x6b: {  	_ =	shalt  }
0x6c: {  	_ =	shalt  }
0x6d: {  	_ =	shalt  }
0x6e: {  	_ =	shalt  }
0x6f: {  	_ =	shalt  }
0x70: {  	_ =	shalt  }
0x71: {  	_ =	shalt  }
0x72: {  	_ =	shalt  }
0x73: {  	_ =	shalt  }
0x74: {  	_ =	shalt  }
0x75: {  	_ =	shalt  }
0x76: {  	_ =	shalt  }
0x77: {  	_ =	shalt  }
0x78: {  	_ =	shalt  }
0x79: {  	_ =	shalt  }
0x7a: {  	_ =	shalt  }
0x7b: {  	_ =	shalt  }
0x7c: {  	_ =	shalt  }
0x7d: {  	_ =	shalt  }
0x7e: {  	_ =	shalt  }
0x7f: {  	_ =	shalt  }
0x80: {  	_ =	shalt  }
0x81: {  	_ =	shalt  }
0x82: {  	_ =	shalt  }
0x83: {  	_ =	shalt  }
0x84: {  	_ =	shalt  }
0x85: {  	_ =	shalt  }
0x86: {  	_ =	shalt  }
0x87: {  	_ =	shalt  }
.Lfunc_end0:
.L_simem_size_0:
called_computation_lowered:
.L_overlay_start_0:
0x88: {  	s2 =	sld [smem:$0x3FD9]  }
0x89: {  	s3 =	sld [smem:$0x3FFE];
	_ =	sdelay $0x1  }
0x8a: {  	s1 =	srdreg.scid  }
0x8b: {  	s0 =	sand.u32 $0x1, s1  }
0x8c: {  	s14 =	sshll.u32 s0, $0xA;
	s2 =	sadd.s32 s3, s2  }
0x8d: {  	s2 =	sadd.s32 s2, s14  }
0x8e: {  	[smem:$0x3FC0] =	sst s2  }
0x8f: {  	_ = 	snop  }
0x90: {  	s2 =	sld [smem:$0x3FD0];
	_ =	sdelay $0x2  }
0x91: {  	s15 =	simm.s32 $0xA;
	s4 =	simm.s32 $0x10  }
0x92: {  	[smem:s4], [sflag:s15] =	dma.local [hbm:s2], $0x1  }
0x93: {  	_ =	swait.eq [sflag:s15], $0x1  }
0x94: {  	[sflag:s15] =	ssyncset.done $0x0  }
0x95: {  	[sflag:s15] =	ssyncadd.s32 $0xFFFFFFFF  }
0x96: {  	s16 =	sld [smem:$0x12];
	(tm) =	ssettm $0x1  }
0x97: {  	s17 =	sld [smem:$0x3FFB];
	_ =	sdelay $0x3  }
0x98: {  	_ =	strace s17  }
0x99: {  	s3 =	sld [smem:$0x3FFC];
	_ =	sdelay $0x3  }
0x9a: {  	_ =	strace s3  }
0x9b: {  	s3 =	sld [smem:$0x3FFD];
	_ =	sdelay $0x3  }
0x9c: {  	_ =	strace s3  }
0x9d: {  	_ =	strace $0x8FFFFFFF  }
0x9e: {  	s18 =	sld [smem:$0x3FDB];
	_ =	sdelay $0x1  }
0x9f: {  	s19 =	simm.s32 $_scs_section_size  }
0xa0: {  	s5 =	simm.s32 $_size__tile_overlayer_lowered;
	s6 =	simm.s32 $_tile_overlayer_lowered  }
0xa1: {  	s22 =	simm.s32 $0x1BFF;
	s21 =	sshll.u32 s6, $0x1;
	s3 =	sadd.s32 s19, s18  }
0xa2: {  	s7 =	simm.s32 $0x0;
	s20 =	sshll.u32 s5, $0x1;
	s5 =	sadd.s32 s21, s3  }
0xa3: {  	[timem:s7], [sflag:s22] =	dma.local [hbm:s5], s20  }
0xa4: {  	_ =	swait.ge [sflag:s22], s20  }
0xa5: {  	s4 =	ssub.s32 $0x0, s20;
	[sflag:s22] =	ssyncset.done $0x0  }
0xa6: {  	[sflag:s22] =	ssyncadd.s32 s4;
	_ =	sdelay $0x1  }
0xa7: {  	s23 =	simm.s32 $0x1B8B  }
0xa8: {  	_ =	swait.ge [sflag:s23], $0x1  }
0xa9: {  	[sflag:s23] =	ssyncset.done $0x0  }
0xaa: {  	s25 =	simm.s32 $0x1B8E;
	s24 =	sld [smem:$0x3FFE];
	[sflag:s23] =	ssyncadd.s32 $0xFFFFFFFF  }
0xab: {  	s26 =	simm.s32 $execute0_lowered;
	[smem:$0x3FD2] =	sst s25  }
0xac: {  	s5 =	sshll.u32 s26, $0x1;
	_ =	strace $0x80000046;
	[dreg:$0x1] =	wrdreg $0xFFFFFFFF  }
0xad: {  	s28 =	simm.s32 $_size_execute0_lowered;
	s3 =	sadd.s32 s3, s5;
	[dreg:$0x0] =	wrdreg $0x0  }
0xae: {  	s5 =	sshll.u32 s28, $0x1;
	[dreg:$0x2] =	wrdreg s3  }
0xaf: {  	[dreg:$0x3] =	wrdreg s5  }
0xb0: {  	[dreg:$0x4] =	wrdreg $0xC0  }
0xb1: {  	_ =	task [dreg:s7], $0x5FFFF  }
0xb2: {  	[dreg:$0x1] =	wrdreg $0xFFFFFFFF  }
0xb3: {  	[dreg:$0x0] =	wrdreg $0x60  }
0xb4: {  	[dreg:$0x2] =	wrdreg s16  }
0xb5: {  	[dreg:$0x3] =	wrdreg s24  }
0xb6: {  	[dreg:$0x4] =	wrdreg $0x68000  }
0xb7: {  	[dreg:$0x5] =	wrdreg $0x9  }
0xb8: {  	_ =	task.clear_ibuf [dreg:s7], $0x6FFFF;
	_ =	strace $0x90000046  }
0xb9: {  	s29 =	simm.s32 $0x9;
	_ =	strace $0x80000048  }
0xba: {  	_ =	swait.ge [sflag:s29], $0x1  }
0xbb: {  	[sflag:s29] =	ssyncadd.s32 $0xFFFFFFFF  }
0xbc: {  	_ =	strace $0x90000048  }
0xbd: {  	_ =	sfence  }
0xbe: {  	s30 =	sld [smem:$0x0];
	_ =	sdelay $0x2  }
0xbf: {  	s31 =	sshll.u32 s1, $0xD;
	s1 =	sshrl.u32 s1, $0x2  }
0xc0: {  	s3 =	sand.u32 $0x4000, s31;
	s1 =	sadd.s32 s1, s30  }
0xc1: {  	s0 =	sor.u32 s3, s0;
	s1 =	sshll.u32 s1, $0x11  }
0xc2: {  	s0 =	sor.u32 s1, s0  }
0xc3: {  	s0 =	sadd.s32 $0x8F2B, s0  }
0xc4: {  	[sflag:s0] =	ssyncadd.remote.s32 $0x1  }
0xc5: {  	_ =	sfence.sel $0xFFFF  }
0xc6: {  	[dreg:$0x0] =	wrdreg $0xFFFFFFFF;
	(pc) =	sbr.abs _section_cstart, $3  }
0xc7: {  	[dreg:$0x1] =	wrdreg $0xFFFFFFFF  }
0xc8: {  	_ =	task.clear_ibuf [dreg:s7], $0x2FFFF;
	_ =	strace $0x9FFFFFFF  }
0xc9: {  	(tm) =	ssettm $0x7FFFFFFF  }
tec
execute0_lowered:
.L_overlay_start_1:
0x0: {  	(tag) =	ssettag $0x1  }
0x1: {  	s5 =	rddreg [dreg:$0x0]  }
0x2: {  	s4 =	rddreg [dreg:$0x1]  }
0x3: {  	s1 =	rddreg [dreg:$0x2];
	s2 =	srdreg.scid  }
0x4: {  	s0 =	rddreg [dreg:$0x3];
	s3 =	simm.s32 $0x0;
	s12 =	simm.s32 $0x2800  }
0x5: {  	s13 =	simm.s32 $0x1;
	s6 =	sand.u32 $0x1, s2;
	s2 =	stileid.u32  }
0x6: {  	s14 =	simm.s32 $0x80;
	[smem:$0x7FF] =	sst s3;
	s7 =	smul.u32 $0x140000, s6  }
0x7: {  	s8 =	smul.u32 $0x14000, s2;
	_ =	strace $0x80000047;
	s9 =	sshll.u32 s6, $0x4  }
0x8: {  	s30 =	smul.u32 $0x50000, s2;
	s6 =	ssub.s32 $0x2, s6;
	s15 =	sshll.u32 s2, $0x6  }
0x9: {  	s29 =	sor.u32 s2, s9;
	s31 =	sshrl.u32 s6, $0x1;
	s7 =	sadd.s32 s8, s7  }
0xa: {  	s15 =	sor.u32 $0x1C01, s15;
	s8 =	smul.u32 $0x500, s29;
	s7 =	sshrl.u32 s7, $0x3  }
0xb: {  	s9 =	sshrl.u32 s30, $0x2;
	s10 =	ssub.s32 s6, s31;
	s7 =	sadd.s32 s7, s4  }
0xc: {  	s4 =	sadd.s32 s9, s1;
	s5 =	sadd.s32 s5, s8;
	s6 =	sadd.s32 $0x3200, s7  }
0xd: {  	s7 =	smax.u32 s10, $0x1;
	s8 =	sadd.s32 $0x4000, s4;
	s9 =	sadd.s32 $0x8000, s4  }
0xe: {  	v0 =	vimm.f32 $0.0e+00;
	v1 =	vimm.f32 $1.000000000e+00;
	s10 =	sadd.s32 $0xC000, s4;
	s11 =	sadd.s32 $0x10000, s4;
	s16 =	sshrl.u32 s4, $0x3  }
.LBB2_1:
0xf: {  	s17 =	simm.s32 $0x0;
	s18 =	simm.s32 $0x200  }
.LBB2_2:
0x10: {  	p0 =	sne.s32 s18, $0xFE00;
	[tilespmem:s17+$0x2870] =	vst v0  }
0x11: {  	[tilespmem:s17+$0x2800] =	vst v0  }
0x12: {  	[tilespmem:s17+$0x2810] =	vst v0  }
.Ltmp0:
0x13: {  	[tilespmem:s17+$0x2820] =	vst v0;
	(pc) =	sbr.rel @p0 .LBB2_2-.Ltmp0, $4  }
0x14: {  	[tilespmem:s17+$0x2830] =	vst v0  }
0x15: {  	[tilespmem:s17+$0x2840] =	vst v0  }
0x16: {  	[tilespmem:s17+$0x2850] =	vst v0  }
0x17: {  	[tilespmem:s17+$0x2860] =	vst v0;
	s17 =	sshra.s32 s18, $0x2;
	s18 =	sadd.s32 $0x200, s18  }
0x18: {  	[tilespmem:s17+$0x2870] =	vst v0  }
0x19: {  	[tilespmem:s17+$0x2800] =	vst v0  }
0x1a: {  	[tilespmem:s17+$0x2810] =	vst v0  }
0x1b: {  	[tilespmem:s17+$0x2820] =	vst v0  }
0x1c: {  	[tilespmem:s17+$0x2830] =	vst v0  }
0x1d: {  	[tilespmem:s17+$0x2840] =	vst v0  }
0x1e: {  	[tilespmem:s17+$0x2850] =	vst v0  }
0x1f: {  	[tilespmem:s17+$0x2860] =	vst v0  }
0x20: {  	[spmem:s4] =	stream.linear.scatter [tilespmem:s12], [sflag:$0x1], $0x4000, $0x38;
	[tilespmem:$0x1A800] =	vst v63  }
0x21: {  	_ =	swait.ge [sflag:s13], $0x4000  }
0x22: {  	[sflag:s13] =	ssyncset.done $0x0  }
0x23: {  	[sflag:s13] =	ssyncadd.s32 $0xFFFFC000  }
0x24: {  	[spmem:s8] =	stream.linear.scatter [tilespmem:s12], [sflag:$0x1], $0x4000, $0x38;
	[tilespmem:$0x1A800] =	vst v63  }
0x25: {  	_ =	swait.ge [sflag:s13], $0x4000  }
0x26: {  	[sflag:s13] =	ssyncset.done $0x0  }
0x27: {  	[sflag:s13] =	ssyncadd.s32 $0xFFFFC000  }
0x28: {  	[spmem:s9] =	stream.linear.scatter [tilespmem:s12], [sflag:$0x1], $0x4000, $0x38;
	[tilespmem:$0x1A800] =	vst v63  }
0x29: {  	_ =	swait.ge [sflag:s13], $0x4000  }
0x2a: {  	[sflag:s13] =	ssyncset.done $0x0  }
0x2b: {  	[sflag:s13] =	ssyncadd.s32 $0xFFFFC000  }
0x2c: {  	[spmem:s10] =	stream.linear.scatter [tilespmem:s12], [sflag:$0x1], $0x4000, $0x38;
	[tilespmem:$0x1A800] =	vst v63  }
0x2d: {  	_ =	swait.ge [sflag:s13], $0x4000  }
0x2e: {  	[sflag:s13] =	ssyncset.done $0x0  }
0x2f: {  	[sflag:s13] =	ssyncadd.s32 $0xFFFFC000  }
0x30: {  	[spmem:s11] =	stream.linear.scatter [tilespmem:s12], [sflag:$0x1], $0x4000, $0x38;
	[tilespmem:$0x1A800] =	vst v63  }
0x31: {  	_ =	swait.ge [sflag:s13], $0x4000  }
0x32: {  	[sflag:s13] =	ssyncset.done $0x0  }
0x33: {  	s17 =	simm.s32 $0x0;
	s18 =	simm.s32 $0x200;
	[sflag:s13] =	ssyncadd.s32 $0xFFFFC000  }
.LBB2_4:
0x34: {  	p0 =	sne.s32 s18, $0xFE00;
	[tilespmem:s17+$0x2870] =	vst v1  }
0x35: {  	[tilespmem:s17+$0x2800] =	vst v1  }
0x36: {  	[tilespmem:s17+$0x2810] =	vst v1  }
.Ltmp1:
0x37: {  	[tilespmem:s17+$0x2820] =	vst v1;
	(pc) =	sbr.rel @p0 .LBB2_4-.Ltmp1, $4  }
0x38: {  	[tilespmem:s17+$0x2830] =	vst v1  }
0x39: {  	[tilespmem:s17+$0x2840] =	vst v1  }
0x3a: {  	[tilespmem:s17+$0x2850] =	vst v1  }
0x3b: {  	[tilespmem:s17+$0x2860] =	vst v1;
	s17 =	sshra.s32 s18, $0x2;
	s18 =	sadd.s32 $0x200, s18  }
0x3c: {  	[tilespmem:s17+$0x2870] =	vst v1  }
0x3d: {  	[tilespmem:s17+$0x2800] =	vst v1  }
0x3e: {  	[tilespmem:s17+$0x2810] =	vst v1  }
0x3f: {  	[tilespmem:s17+$0x2820] =	vst v1  }
0x40: {  	[tilespmem:s17+$0x2830] =	vst v1  }
0x41: {  	[tilespmem:s17+$0x2840] =	vst v1  }
0x42: {  	[tilespmem:s17+$0x2850] =	vst v1  }
0x43: {  	[tilespmem:s17+$0x2860] =	vst v1  }
0x44: {  	s30 =	simm.s32 $0x0;
	[bflag:$0x0] =	sbarrier.arrive $0xFFFF  }
0x45: {  	[tilespmem:s30], [sflag:$0x1] =	stream.linear.gather [hbm4b:s5+s30], $0x2800, $0x38;
	[tilespmem:$0x1A800] =	vst v63  }
0x46: {  	_ =	swait.ge [sflag:s13], $0x2800  }
0x47: {  	[sflag:s13] =	ssyncset.done $0x0  }
0x48: {  	s31 =	simm.s32 $0x0;
	[sflag:s13] =	ssyncadd.s32 $0xFFFFD800  }
0x49: {  	[spmem:s1] =	stream.indirect.scatter.add.f32 [tilespmem:s12], [sflag:$0x1], $0x80, s31, s14, $0xb8;
	[tilespmem:$0x1A800] =	vst v63  }
0x4a: {  	_ =	swait.ge [sflag:s13], $0x4000  }
0x4b: {  	s17 =	simm.s32 $0x200;
	[sflag:s13] =	ssyncset.done $0x0  }
.LBB2_6:
0x4c: {  	s18 =	sshra.s32 s17, $0x2;
	[sflag:s13] =	ssyncadd.s32 $0xFFFFC000;
	p0 =	sne.s32 s17, $0x9E00  }
0x4d: {  	[spmem:s1] =	stream.indirect.scatter.add.f32 [tilespmem:s12], [sflag:$0x1], $0x80, s18, s14, $0xb8;
	[tilespmem:$0x1A800] =	vst v63  }
.Ltmp2:
0x4e: {  	_ = 	snop;
	(pc) =	sbr.rel @p0 .LBB2_6-.Ltmp2, $4  }
0x4f: {  	_ = 	snop  }
0x50: {  	s17 =	sadd.s32 $0x200, s17  }
0x51: {  	_ =	swait.ge [sflag:s13], $0x4000  }
0x52: {  	[sflag:s13] =	ssyncset.done $0x0  }
0x53: {  	s3 =	sadd.s32 $0x1, s3  }
0x54: {  	[sflag:s13] =	ssyncadd.s32 $0xFFFFC000;
	p0 =	sne.s32 s3, s7  }
.Ltmp3:
0x55: {  	[bflag:$0x0] =	sbarrier.arrive $0xFFFF;
	(pc) =	sbr.rel @p0 .LBB2_1-.Ltmp3, $4  }
0x56: {  	[hbm:s6], [sflag:s15] =	dma.local [spmem:s16], $0x2800  }
0x57: {  	_ =	swait.ge [sflag:s13], $0x2800  }
0x58: {  	[sflag:s13] =	ssyncset.done $0x0  }
0x59: {  	[sflag:s13] =	ssyncadd.s32 $0xFFFFD800  }
0x5a: {  	_ =	sfence.sel $0x180000  }
0x5b: {  	[bflag:$0x0] =	sbarrier.arrive $0xFFFF  }
0x5c: {  	p0 =	sne.s32 s2, $0x0;
	_ =	strace $0x90000047  }
0x5d: {  	s0 =	sadd.s32 @!p0 $0x100000, s0;
	[bflag:$0x2] =	sbarrier.arrive $0xFFFF  }
0x5e: {  	[sflag:s0] =	ssyncadd.tile.s32 @!p0 $0x1;
	_ =	shalt  }
.Lfunc_end2:
_tile_overlayer_lowered:
.L_overlay_start_2:
0x5f: {  	(tag) =	ssettag $0x2  }
0x60: {  	s0 =	rddreg [dreg:$0x0];
	s2 =	stileid.u32  }
0x61: {  	s1 =	rddreg [dreg:$0x1];
	p0 =	sne.s32 s2, $0x0  }
0x62: {  	s3 =	rddreg [dreg:$0x2];
	[bflag:$0x3] =	sbarrier.arrive $0xFFFF;
	s2 =	simm.s32 @!p0 $0x1C01  }
0x63: {  	[timem:s3], [sflag:s2] =	dma.local @!p0 [hbm:s0], s1  }
0x64: {  	s0 =	simm.s32 @!p0 $0x1  }
0x65: {  	_ =	swait.ge @!p0 [sflag:s0], s1  }
0x66: {  	s1 =	ssub.s32 @!p0 $0x0, s1;
	[sflag:s0] =	ssyncset.done @!p0 $0x0  }
0x67: {  	[sflag:s0] =	ssyncadd.s32 @!p0 s1  }
0x68: {  	[bflag:$0x3] =	sbarrier.arrive $0xFFFF  }
0x69: {  	_ =	shalt  }

</sc_bundles>
